<compile_context>
chip_gen: v7x
topology: tpu7x:2x2x1
jax: 0.10.2.dev20260603
libtpu: 0.0.44.dev20260713+nightly
codegen_flags: <defaults>
</compile_context>

<pallas_src>
import functools
import jax
import jax.numpy as jnp
from jax import lax
from jax.experimental import pallas as pl
from jax.experimental.pallas import tpu as pltpu
from jax.experimental.pallas import tpu_sc as plsc

_F = 3 * 224 * 224
_CH = 37632
_NCHUNK = _F // _CH
_B = 64
_NW = 32
_BPW = _B // _NW


def _sc_body(x_hbm, t_hbm, n_hbm, sac_hbm, somac_hbm, out_hbm,
             sac_v, somac_v, t_v, x_v, n_v, o_v):
    wid = lax.axis_index("s") * 2 + lax.axis_index("c")
    pltpu.sync_copy(t_hbm, t_v)
    pltpu.sync_copy(sac_hbm, sac_v)
    pltpu.sync_copy(somac_hbm, somac_v)
    for bb in range(_BPW):
        b = wid * _BPW + bb
        b16 = jnp.zeros((16,), jnp.int32) + b
        t16 = plsc.load_gather(t_v, [b16])
        a16 = plsc.load_gather(sac_v, [t16])
        c16 = plsc.load_gather(somac_v, [t16])

        for k in range(_NCHUNK):
            base = b * _F + k * _CH
            pltpu.sync_copy(x_hbm.at[pl.ds(base, _CH)], x_v)
            pltpu.sync_copy(n_hbm.at[pl.ds(base, _CH)], n_v)

            @plsc.parallel_loop(0, _CH // 16, unroll=8)
            def _fma(i):
                s = pl.ds(i * 16, 16)
                o_v[s] = a16 * x_v[s] + c16 * n_v[s]

            pltpu.sync_copy(o_v, out_hbm.at[pl.ds(base, _CH)])


def kernel(x_0, t, noise, sqrt_alphas_cumprod, sqrt_one_minus_alphas_cumprod):
    xf = x_0.reshape(-1)
    nf = noise.reshape(-1)
    mesh = plsc.VectorSubcoreMesh(core_axis_name="c", subcore_axis_name="s")
    run = functools.partial(
        pl.kernel,
        mesh=mesh,
        compiler_params=pltpu.CompilerParams(needs_layout_passes=False),
        out_type=jax.ShapeDtypeStruct((_B * _F,), jnp.float32),
        scratch_types=[
            pltpu.VMEM((1000,), jnp.float32),
            pltpu.VMEM((1000,), jnp.float32),
            pltpu.VMEM((_B,), jnp.int32),
            pltpu.VMEM((_CH,), jnp.float32),
            pltpu.VMEM((_CH,), jnp.float32),
            pltpu.VMEM((_CH,), jnp.float32),
        ],
    )(_sc_body)
    noisy = run(xf, t, nf, sqrt_alphas_cumprod, sqrt_one_minus_alphas_cumprod)
    return noisy.reshape(x_0.shape), noise

# --- scband reference (transcript-rebuilt; emitter-appended) ---
"""Pipeline reference for scband-forward-process-7043746365611 (READ-ONLY COPY).

The authoritative reference and input builder live on the scoring server;
editing this copy changes nothing except your own understanding.
"""

import jax, jax.numpy as jnp
import numpy as np

T = 1000
START = 0.0001
END = 0.02


def setup_inputs(seed: int = 0) -> dict:
    key = jax.random.key(seed)
    k1, k2, k3 = jax.random.split(key, 3)
    # diffusion schedule buffers (non-learned, derived from init kwargs)
    betas = jnp.linspace(START, END, T)
    alphas = 1.0 - betas
    alphas_cumprod = jnp.cumprod(alphas, axis=0)
    sqrt_alphas_cumprod = jnp.sqrt(alphas_cumprod)
    sqrt_one_minus_alphas_cumprod = jnp.sqrt(1.0 - alphas_cumprod)
    x_0 = jax.random.normal(k1, (64, 3, 224, 224), dtype=jnp.float32)
    t = jax.random.randint(k2, (64,), 0, T, dtype=jnp.int32)
    # torch.randn_like(x_0) inside forward -> materialized deterministically here
    noise = jax.random.normal(k3, (64, 3, 224, 224), dtype=jnp.float32)
    return {
        "x_0": x_0,
        "t": t,
        "noise": noise,
        "sqrt_alphas_cumprod": sqrt_alphas_cumprod,
        "sqrt_one_minus_alphas_cumprod": sqrt_one_minus_alphas_cumprod,
    }


def reference(x_0, t, noise, sqrt_alphas_cumprod, sqrt_one_minus_alphas_cumprod):
    # get_index_from_list: gather schedule value at timestep t, broadcast over image dims
    batch_size = t.shape[0]
    sqrt_ac_t = jnp.take(sqrt_alphas_cumprod, t, axis=0).reshape(batch_size, 1, 1, 1)
    sqrt_omac_t = jnp.take(sqrt_one_minus_alphas_cumprod, t, axis=0).reshape(batch_size, 1, 1, 1)
    noisy = sqrt_ac_t * x_0 + sqrt_omac_t * noise
    return (noisy, noise)

if __name__ == "__main__":
    import jax
    _d = setup_inputs()
    print(jax.jit(kernel)(*tuple(_d.values())))

</pallas_src>

<mosaic_0001>
#map = affine_map<(d0, d1) -> (0)>
module attributes {stable_mosaic.version = 14 : i64} {
  func.func @_sc_body(%arg0: i32, %arg1: i32, %arg2: memref<9633792xf32, #tpu.memory_space<hbm>>, %arg3: memref<64xi32, #tpu.memory_space<hbm>>, %arg4: memref<9633792xf32, #tpu.memory_space<hbm>>, %arg5: memref<1000xf32, #tpu.memory_space<hbm>>, %arg6: memref<1000xf32, #tpu.memory_space<hbm>>, %arg7: memref<9633792xf32, #tpu.memory_space<hbm>>, %arg8: memref<1000xf32, #tpu.memory_space<vmem>>, %arg9: memref<1000xf32, #tpu.memory_space<vmem>>, %arg10: memref<64xi32, #tpu.memory_space<vmem>>, %arg11: memref<37632xf32, #tpu.memory_space<vmem>>, %arg12: memref<37632xf32, #tpu.memory_space<vmem>>, %arg13: memref<37632xf32, #tpu.memory_space<vmem>>) attributes {dimension_semantics = [#tpu.dimension_semantics<core_parallel>, #tpu.dimension_semantics<subcore_parallel>], iteration_bounds = array<i64: 2, 16>, scalar_prefetch = 0 : i64, scratch_operands = 6 : i64, tpu.core_type = #tpu.core_type<sc_vector_subcore>, window_params = [{transform_indices = #map}, {transform_indices = #map}, {transform_indices = #map}, {transform_indices = #map}, {transform_indices = #map}, {transform_indices = #map}]} {
    %mul3A = arith.constant 2 : i32
    %mul3A_0 = arith.muli %arg1, %mul3A : i32
    %add3A = arith.addi %mul3A_0, %arg0 : i32
    "tpu.region"() ({
      %run_scoped3A = tpu.sem_alloc : memref<!tpu.dma_semaphore, #tpu.memory_space<semaphore_mem>>
      tpu.enqueue_dma source(%arg3 : memref<64xi32, #tpu.memory_space<hbm>>) target(%arg10 : memref<64xi32, #tpu.memory_space<vmem>>) target_semaphore(%run_scoped3A : memref<!tpu.dma_semaphore, #tpu.memory_space<semaphore_mem>>)
      tpu.wait_dma2 semaphore(%run_scoped3A : memref<!tpu.dma_semaphore, #tpu.memory_space<semaphore_mem>>) src(%arg3 : memref<64xi32, #tpu.memory_space<hbm>>) dst(%arg10 : memref<64xi32, #tpu.memory_space<vmem>>)
      tpu.yield
    }) : () -> ()
    "tpu.region"() ({
      %run_scoped3A = tpu.sem_alloc : memref<!tpu.dma_semaphore, #tpu.memory_space<semaphore_mem>>
      tpu.enqueue_dma source(%arg5 : memref<1000xf32, #tpu.memory_space<hbm>>) target(%arg8 : memref<1000xf32, #tpu.memory_space<vmem>>) target_semaphore(%run_scoped3A : memref<!tpu.dma_semaphore, #tpu.memory_space<semaphore_mem>>)
      tpu.wait_dma2 semaphore(%run_scoped3A : memref<!tpu.dma_semaphore, #tpu.memory_space<semaphore_mem>>) src(%arg5 : memref<1000xf32, #tpu.memory_space<hbm>>) dst(%arg8 : memref<1000xf32, #tpu.memory_space<vmem>>)
      tpu.yield
    }) : () -> ()
    "tpu.region"() ({
      %run_scoped3A = tpu.sem_alloc : memref<!tpu.dma_semaphore, #tpu.memory_space<semaphore_mem>>
      tpu.enqueue_dma source(%arg6 : memref<1000xf32, #tpu.memory_space<hbm>>) target(%arg9 : memref<1000xf32, #tpu.memory_space<vmem>>) target_semaphore(%run_scoped3A : memref<!tpu.dma_semaphore, #tpu.memory_space<semaphore_mem>>)
      tpu.wait_dma2 semaphore(%run_scoped3A : memref<!tpu.dma_semaphore, #tpu.memory_space<semaphore_mem>>) src(%arg6 : memref<1000xf32, #tpu.memory_space<hbm>>) dst(%arg9 : memref<1000xf32, #tpu.memory_space<vmem>>)
      tpu.yield
    }) : () -> ()
    %mul3A_1 = arith.constant 2 : i32
    %mul3A_2 = arith.muli %add3A, %mul3A_1 : i32
    %add3A_3 = arith.constant 0 : i32
    %add3A_4 = arith.addi %mul3A_2, %add3A_3 : i32
    %broadcast_in_dim3A = arith.constant 0 : i32
    %broadcast_in_dim3A_5 = vector.broadcast %broadcast_in_dim3A : i32 to vector<16xi32>
    %add3A_6 = vector.broadcast %add3A_4 : i32 to vector<16xi32>
    %add3A_7 = arith.addi %broadcast_in_dim3A_5, %add3A_6 : vector<16xi32>
    %gather3A = tpu.vector_load_idx %arg10[%add3A_7] : memref<64xi32, #tpu.memory_space<vmem>>[vector<16xi32>], vector<16xi32>,
    %gather3A_8 = tpu.vector_load_idx %arg8[%gather3A] : memref<1000xf32, #tpu.memory_space<vmem>>[vector<16xi32>], vector<16xf32>,
    %gather3A_9 = tpu.vector_load_idx %arg9[%gather3A] : memref<1000xf32, #tpu.memory_space<vmem>>[vector<16xi32>], vector<16xf32>,
    %mul3A_10 = arith.constant 150528 : i32
    %mul3A_11 = arith.muli %add3A_4, %mul3A_10 : i32
    %add3A_12 = arith.constant 0 : i32
    %add3A_13 = arith.addi %mul3A_11, %add3A_12 : i32
    "tpu.region"() ({
      %run_scoped3A = tpu.sem_alloc : memref<!tpu.dma_semaphore, #tpu.memory_space<semaphore_mem>>
      %dma_start3A = tpu.memref_slice %arg2[%add3A_13] : memref<9633792xf32, #tpu.memory_space<hbm>> -> memref<37632xf32, #tpu.memory_space<hbm>>
      %dma_start3A_76 = tpu.memref_slice %arg2[%add3A_13] : memref<9633792xf32, #tpu.memory_space<hbm>> -> memref<37632xf32, #tpu.memory_space<hbm>>
      tpu.enqueue_dma source(%dma_start3A_76 : memref<37632xf32, #tpu.memory_space<hbm>>) target(%arg11 : memref<37632xf32, #tpu.memory_space<vmem>>) target_semaphore(%run_scoped3A : memref<!tpu.dma_semaphore, #tpu.memory_space<semaphore_mem>>)
      %dma_wait3A = tpu.memref_slice %arg2[%add3A_13] : memref<9633792xf32, #tpu.memory_space<hbm>> -> memref<37632xf32, #tpu.memory_space<hbm>>
      %dma_wait3A_77 = tpu.memref_slice %arg2[%add3A_13] : memref<9633792xf32, #tpu.memory_space<hbm>> -> memref<37632xf32, #tpu.memory_space<hbm>>
      tpu.wait_dma2 semaphore(%run_scoped3A : memref<!tpu.dma_semaphore, #tpu.memory_space<semaphore_mem>>) src(%dma_wait3A_77 : memref<37632xf32, #tpu.memory_space<hbm>>) dst(%arg11 : memref<37632xf32, #tpu.memory_space<vmem>>)
      tpu.yield
    }) : () -> ()
    "tpu.region"() ({
      %run_scoped3A = tpu.sem_alloc : memref<!tpu.dma_semaphore, #tpu.memory_space<semaphore_mem>>
      %dma_start3A = tpu.memref_slice %arg4[%add3A_13] : memref<9633792xf32, #tpu.memory_space<hbm>> -> memref<37632xf32, #tpu.memory_space<hbm>>
      %dma_start3A_76 = tpu.memref_slice %arg4[%add3A_13] : memref<9633792xf32, #tpu.memory_space<hbm>> -> memref<37632xf32, #tpu.memory_space<hbm>>
      tpu.enqueue_dma source(%dma_start3A_76 : memref<37632xf32, #tpu.memory_space<hbm>>) target(%arg12 : memref<37632xf32, #tpu.memory_space<vmem>>) target_semaphore(%run_scoped3A : memref<!tpu.dma_semaphore, #tpu.memory_space<semaphore_mem>>)
      %dma_wait3A = tpu.memref_slice %arg4[%add3A_13] : memref<9633792xf32, #tpu.memory_space<hbm>> -> memref<37632xf32, #tpu.memory_space<hbm>>
      %dma_wait3A_77 = tpu.memref_slice %arg4[%add3A_13] : memref<9633792xf32, #tpu.memory_space<hbm>> -> memref<37632xf32, #tpu.memory_space<hbm>>
      tpu.wait_dma2 semaphore(%run_scoped3A : memref<!tpu.dma_semaphore, #tpu.memory_space<semaphore_mem>>) src(%dma_wait3A_77 : memref<37632xf32, #tpu.memory_space<hbm>>) dst(%arg12 : memref<37632xf32, #tpu.memory_space<vmem>>)
      tpu.yield
    }) : () -> ()
    %parallel_loop3A = arith.constant 0 : i32
    %parallel_loop3A_14 = arith.constant 2352 : i32
    %parallel_loop3A_15 = arith.constant 1 : i32
    scf.for %parallel_loop3A_76 = %parallel_loop3A to %parallel_loop3A_14 step %parallel_loop3A_15  : i32 {
      %parallel_loop3A_77 = arith.constant 16 : i32
      %parallel_loop3A_78 = arith.muli %parallel_loop3A_76, %parallel_loop3A_77 : i32
      %parallel_loop3A_79 = arith.index_cast %parallel_loop3A_78 : i32 to index
      %parallel_loop3A_80 = tpu.vector_load %arg11[%parallel_loop3A_79] {strides = array<i32>} : memref<37632xf32, #tpu.memory_space<vmem>>, vector<16xf32>,
      %parallel_loop3A_81 = arith.mulf %gather3A_8, %parallel_loop3A_80 : vector<16xf32>
      %parallel_loop3A_82 = arith.index_cast %parallel_loop3A_78 : i32 to index
      %parallel_loop3A_83 = tpu.vector_load %arg12[%parallel_loop3A_82] {strides = array<i32>} : memref<37632xf32, #tpu.memory_space<vmem>>, vector<16xf32>,
      %parallel_loop3A_84 = arith.mulf %gather3A_9, %parallel_loop3A_83 : vector<16xf32>
      %parallel_loop3A_85 = arith.addf %parallel_loop3A_81, %parallel_loop3A_84 : vector<16xf32>
      %parallel_loop3A_86 = arith.index_cast %parallel_loop3A_78 : i32 to index
      %parallel_loop3A_87 = tpu.vector_load %arg13[%parallel_loop3A_86] {strides = array<i32>} : memref<37632xf32, #tpu.memory_space<vmem>>, vector<16xf32>,
      tpu.vector_store %arg13[%parallel_loop3A_86], %parallel_loop3A_85 {strides = array<i32>} : memref<37632xf32, #tpu.memory_space<vmem>>, vector<16xf32>,
    } {sc.loop_unroll_factor = 8 : i64, sc.parallel_access}
    "tpu.region"() ({
      %run_scoped3A = tpu.sem_alloc : memref<!tpu.dma_semaphore, #tpu.memory_space<semaphore_mem>>
      %dma_start3A = tpu.memref_slice %arg7[%add3A_13] : memref<9633792xf32, #tpu.memory_space<hbm>> -> memref<37632xf32, #tpu.memory_space<hbm>>
      %dma_start3A_76 = tpu.memref_slice %arg7[%add3A_13] : memref<9633792xf32, #tpu.memory_space<hbm>> -> memref<37632xf32, #tpu.memory_space<hbm>>
      tpu.enqueue_dma source(%arg13 : memref<37632xf32, #tpu.memory_space<vmem>>) target(%dma_start3A_76 : memref<37632xf32, #tpu.memory_space<hbm>>) target_semaphore(%run_scoped3A : memref<!tpu.dma_semaphore, #tpu.memory_space<semaphore_mem>>)
      %dma_wait3A = tpu.memref_slice %arg7[%add3A_13] : memref<9633792xf32, #tpu.memory_space<hbm>> -> memref<37632xf32, #tpu.memory_space<hbm>>
      %dma_wait3A_77 = tpu.memref_slice %arg7[%add3A_13] : memref<9633792xf32, #tpu.memory_space<hbm>> -> memref<37632xf32, #tpu.memory_space<hbm>>
      tpu.wait_dma2 semaphore(%run_scoped3A : memref<!tpu.dma_semaphore, #tpu.memory_space<semaphore_mem>>) src(%arg13 : memref<37632xf32, #tpu.memory_space<vmem>>) dst(%dma_wait3A_77 : memref<37632xf32, #tpu.memory_space<hbm>>)
      tpu.yield
    }) : () -> ()
    %mul3A_16 = arith.constant 150528 : i32
    %mul3A_17 = arith.muli %add3A_4, %mul3A_16 : i32
    %add3A_18 = arith.constant 37632 : i32
    %add3A_19 = arith.addi %mul3A_17, %add3A_18 : i32
    "tpu.region"() ({
      %run_scoped3A = tpu.sem_alloc : memref<!tpu.dma_semaphore, #tpu.memory_space<semaphore_mem>>
      %dma_start3A = tpu.memref_slice %arg2[%add3A_19] : memref<9633792xf32, #tpu.memory_space<hbm>> -> memref<37632xf32, #tpu.memory_space<hbm>>
      %dma_start3A_76 = tpu.memref_slice %arg2[%add3A_19] : memref<9633792xf32, #tpu.memory_space<hbm>> -> memref<37632xf32, #tpu.memory_space<hbm>>
      tpu.enqueue_dma source(%dma_start3A_76 : memref<37632xf32, #tpu.memory_space<hbm>>) target(%arg11 : memref<37632xf32, #tpu.memory_space<vmem>>) target_semaphore(%run_scoped3A : memref<!tpu.dma_semaphore, #tpu.memory_space<semaphore_mem>>)
      %dma_wait3A = tpu.memref_slice %arg2[%add3A_19] : memref<9633792xf32, #tpu.memory_space<hbm>> -> memref<37632xf32, #tpu.memory_space<hbm>>
      %dma_wait3A_77 = tpu.memref_slice %arg2[%add3A_19] : memref<9633792xf32, #tpu.memory_space<hbm>> -> memref<37632xf32, #tpu.memory_space<hbm>>
      tpu.wait_dma2 semaphore(%run_scoped3A : memref<!tpu.dma_semaphore, #tpu.memory_space<semaphore_mem>>) src(%dma_wait3A_77 : memref<37632xf32, #tpu.memory_space<hbm>>) dst(%arg11 : memref<37632xf32, #tpu.memory_space<vmem>>)
      tpu.yield
    }) : () -> ()
    "tpu.region"() ({
      %run_scoped3A = tpu.sem_alloc : memref<!tpu.dma_semaphore, #tpu.memory_space<semaphore_mem>>
      %dma_start3A = tpu.memref_slice %arg4[%add3A_19] : memref<9633792xf32, #tpu.memory_space<hbm>> -> memref<37632xf32, #tpu.memory_space<hbm>>
      %dma_start3A_76 = tpu.memref_slice %arg4[%add3A_19] : memref<9633792xf32, #tpu.memory_space<hbm>> -> memref<37632xf32, #tpu.memory_space<hbm>>
      tpu.enqueue_dma source(%dma_start3A_76 : memref<37632xf32, #tpu.memory_space<hbm>>) target(%arg12 : memref<37632xf32, #tpu.memory_space<vmem>>) target_semaphore(%run_scoped3A : memref<!tpu.dma_semaphore, #tpu.memory_space<semaphore_mem>>)
      %dma_wait3A = tpu.memref_slice %arg4[%add3A_19] : memref<9633792xf32, #tpu.memory_space<hbm>> -> memref<37632xf32, #tpu.memory_space<hbm>>
      %dma_wait3A_77 = tpu.memref_slice %arg4[%add3A_19] : memref<9633792xf32, #tpu.memory_space<hbm>> -> memref<37632xf32, #tpu.memory_space<hbm>>
      tpu.wait_dma2 semaphore(%run_scoped3A : memref<!tpu.dma_semaphore, #tpu.memory_space<semaphore_mem>>) src(%dma_wait3A_77 : memref<37632xf32, #tpu.memory_space<hbm>>) dst(%arg12 : memref<37632xf32, #tpu.memory_space<vmem>>)
      tpu.yield
    }) : () -> ()
    %parallel_loop3A_20 = arith.constant 0 : i32
    %parallel_loop3A_21 = arith.constant 2352 : i32
    %parallel_loop3A_22 = arith.constant 1 : i32
    scf.for %parallel_loop3A_76 = %parallel_loop3A_20 to %parallel_loop3A_21 step %parallel_loop3A_22  : i32 {
      %parallel_loop3A_77 = arith.constant 16 : i32
      %parallel_loop3A_78 = arith.muli %parallel_loop3A_76, %parallel_loop3A_77 : i32
      %parallel_loop3A_79 = arith.index_cast %parallel_loop3A_78 : i32 to index
      %parallel_loop3A_80 = tpu.vector_load %arg11[%parallel_loop3A_79] {strides = array<i32>} : memref<37632xf32, #tpu.memory_space<vmem>>, vector<16xf32>,
      %parallel_loop3A_81 = arith.mulf %gather3A_8, %parallel_loop3A_80 : vector<16xf32>
      %parallel_loop3A_82 = arith.index_cast %parallel_loop3A_78 : i32 to index
      %parallel_loop3A_83 = tpu.vector_load %arg12[%parallel_loop3A_82] {strides = array<i32>} : memref<37632xf32, #tpu.memory_space<vmem>>, vector<16xf32>,
      %parallel_loop3A_84 = arith.mulf %gather3A_9, %parallel_loop3A_83 : vector<16xf32>
      %parallel_loop3A_85 = arith.addf %parallel_loop3A_81, %parallel_loop3A_84 : vector<16xf32>
      %parallel_loop3A_86 = arith.index_cast %parallel_loop3A_78 : i32 to index
      %parallel_loop3A_87 = tpu.vector_load %arg13[%parallel_loop3A_86] {strides = array<i32>} : memref<37632xf32, #tpu.memory_space<vmem>>, vector<16xf32>,
      tpu.vector_store %arg13[%parallel_loop3A_86], %parallel_loop3A_85 {strides = array<i32>} : memref<37632xf32, #tpu.memory_space<vmem>>, vector<16xf32>,
    } {sc.loop_unroll_factor = 8 : i64, sc.parallel_access}
    "tpu.region"() ({
      %run_scoped3A = tpu.sem_alloc : memref<!tpu.dma_semaphore, #tpu.memory_space<semaphore_mem>>
      %dma_start3A = tpu.memref_slice %arg7[%add3A_19] : memref<9633792xf32, #tpu.memory_space<hbm>> -> memref<37632xf32, #tpu.memory_space<hbm>>
      %dma_start3A_76 = tpu.memref_slice %arg7[%add3A_19] : memref<9633792xf32, #tpu.memory_space<hbm>> -> memref<37632xf32, #tpu.memory_space<hbm>>
      tpu.enqueue_dma source(%arg13 : memref<37632xf32, #tpu.memory_space<vmem>>) target(%dma_start3A_76 : memref<37632xf32, #tpu.memory_space<hbm>>) target_semaphore(%run_scoped3A : memref<!tpu.dma_semaphore, #tpu.memory_space<semaphore_mem>>)
      %dma_wait3A = tpu.memref_slice %arg7[%add3A_19] : memref<9633792xf32, #tpu.memory_space<hbm>> -> memref<37632xf32, #tpu.memory_space<hbm>>
      %dma_wait3A_77 = tpu.memref_slice %arg7[%add3A_19] : memref<9633792xf32, #tpu.memory_space<hbm>> -> memref<37632xf32, #tpu.memory_space<hbm>>
      tpu.wait_dma2 semaphore(%run_scoped3A : memref<!tpu.dma_semaphore, #tpu.memory_space<semaphore_mem>>) src(%arg13 : memref<37632xf32, #tpu.memory_space<vmem>>) dst(%dma_wait3A_77 : memref<37632xf32, #tpu.memory_space<hbm>>)
      tpu.yield
    }) : () -> ()
    %mul3A_23 = arith.constant 150528 : i32
    %mul3A_24 = arith.muli %add3A_4, %mul3A_23 : i32
    %add3A_25 = arith.constant 75264 : i32
    %add3A_26 = arith.addi %mul3A_24, %add3A_25 : i32
    "tpu.region"() ({
      %run_scoped3A = tpu.sem_alloc : memref<!tpu.dma_semaphore, #tpu.memory_space<semaphore_mem>>
      %dma_start3A = tpu.memref_slice %arg2[%add3A_26] : memref<9633792xf32, #tpu.memory_space<hbm>> -> memref<37632xf32, #tpu.memory_space<hbm>>
      %dma_start3A_76 = tpu.memref_slice %arg2[%add3A_26] : memref<9633792xf32, #tpu.memory_space<hbm>> -> memref<37632xf32, #tpu.memory_space<hbm>>
      tpu.enqueue_dma source(%dma_start3A_76 : memref<37632xf32, #tpu.memory_space<hbm>>) target(%arg11 : memref<37632xf32, #tpu.memory_space<vmem>>) target_semaphore(%run_scoped3A : memref<!tpu.dma_semaphore, #tpu.memory_space<semaphore_mem>>)
      %dma_wait3A = tpu.memref_slice %arg2[%add3A_26] : memref<9633792xf32, #tpu.memory_space<hbm>> -> memref<37632xf32, #tpu.memory_space<hbm>>
      %dma_wait3A_77 = tpu.memref_slice %arg2[%add3A_26] : memref<9633792xf32, #tpu.memory_space<hbm>> -> memref<37632xf32, #tpu.memory_space<hbm>>
      tpu.wait_dma2 semaphore(%run_scoped3A : memref<!tpu.dma_semaphore, #tpu.memory_space<semaphore_mem>>) src(%dma_wait3A_77 : memref<37632xf32, #tpu.memory_space<hbm>>) dst(%arg11 : memref<37632xf32, #tpu.memory_space<vmem>>)
      tpu.yield
    }) : () -> ()
    "tpu.region"() ({
      %run_scoped3A = tpu.sem_alloc : memref<!tpu.dma_semaphore, #tpu.memory_space<semaphore_mem>>
      %dma_start3A = tpu.memref_slice %arg4[%add3A_26] : memref<9633792xf32, #tpu.memory_space<hbm>> -> memref<37632xf32, #tpu.memory_space<hbm>>
      %dma_start3A_76 = tpu.memref_slice %arg4[%add3A_26] : memref<9633792xf32, #tpu.memory_space<hbm>> -> memref<37632xf32, #tpu.memory_space<hbm>>
      tpu.enqueue_dma source(%dma_start3A_76 : memref<37632xf32, #tpu.memory_space<hbm>>) target(%arg12 : memref<37632xf32, #tpu.memory_space<vmem>>) target_semaphore(%run_scoped3A : memref<!tpu.dma_semaphore, #tpu.memory_space<semaphore_mem>>)
      %dma_wait3A = tpu.memref_slice %arg4[%add3A_26] : memref<9633792xf32, #tpu.memory_space<hbm>> -> memref<37632xf32, #tpu.memory_space<hbm>>
      %dma_wait3A_77 = tpu.memref_slice %arg4[%add3A_26] : memref<9633792xf32, #tpu.memory_space<hbm>> -> memref<37632xf32, #tpu.memory_space<hbm>>
      tpu.wait_dma2 semaphore(%run_scoped3A : memref<!tpu.dma_semaphore, #tpu.memory_space<semaphore_mem>>) src(%dma_wait3A_77 : memref<37632xf32, #tpu.memory_space<hbm>>) dst(%arg12 : memref<37632xf32, #tpu.memory_space<vmem>>)
      tpu.yield
    }) : () -> ()
    %parallel_loop3A_27 = arith.constant 0 : i32
    %parallel_loop3A_28 = arith.constant 2352 : i32
    %parallel_loop3A_29 = arith.constant 1 : i32
    scf.for %parallel_loop3A_76 = %parallel_loop3A_27 to %parallel_loop3A_28 step %parallel_loop3A_29  : i32 {
      %parallel_loop3A_77 = arith.constant 16 : i32
      %parallel_loop3A_78 = arith.muli %parallel_loop3A_76, %parallel_loop3A_77 : i32
      %parallel_loop3A_79 = arith.index_cast %parallel_loop3A_78 : i32 to index
      %parallel_loop3A_80 = tpu.vector_load %arg11[%parallel_loop3A_79] {strides = array<i32>} : memref<37632xf32, #tpu.memory_space<vmem>>, vector<16xf32>,
      %parallel_loop3A_81 = arith.mulf %gather3A_8, %parallel_loop3A_80 : vector<16xf32>
      %parallel_loop3A_82 = arith.index_cast %parallel_loop3A_78 : i32 to index
      %parallel_loop3A_83 = tpu.vector_load %arg12[%parallel_loop3A_82] {strides = array<i32>} : memref<37632xf32, #tpu.memory_space<vmem>>, vector<16xf32>,
      %parallel_loop3A_84 = arith.mulf %gather3A_9, %parallel_loop3A_83 : vector<16xf32>
      %parallel_loop3A_85 = arith.addf %parallel_loop3A_81, %parallel_loop3A_84 : vector<16xf32>
      %parallel_loop3A_86 = arith.index_cast %parallel_loop3A_78 : i32 to index
      %parallel_loop3A_87 = tpu.vector_load %arg13[%parallel_loop3A_86] {strides = array<i32>} : memref<37632xf32, #tpu.memory_space<vmem>>, vector<16xf32>,
      tpu.vector_store %arg13[%parallel_loop3A_86], %parallel_loop3A_85 {strides = array<i32>} : memref<37632xf32, #tpu.memory_space<vmem>>, vector<16xf32>,
    } {sc.loop_unroll_factor = 8 : i64, sc.parallel_access}
    "tpu.region"() ({
      %run_scoped3A = tpu.sem_alloc : memref<!tpu.dma_semaphore, #tpu.memory_space<semaphore_mem>>
      %dma_start3A = tpu.memref_slice %arg7[%add3A_26] : memref<9633792xf32, #tpu.memory_space<hbm>> -> memref<37632xf32, #tpu.memory_space<hbm>>
      %dma_start3A_76 = tpu.memref_slice %arg7[%add3A_26] : memref<9633792xf32, #tpu.memory_space<hbm>> -> memref<37632xf32, #tpu.memory_space<hbm>>
      tpu.enqueue_dma source(%arg13 : memref<37632xf32, #tpu.memory_space<vmem>>) target(%dma_start3A_76 : memref<37632xf32, #tpu.memory_space<hbm>>) target_semaphore(%run_scoped3A : memref<!tpu.dma_semaphore, #tpu.memory_space<semaphore_mem>>)
      %dma_wait3A = tpu.memref_slice %arg7[%add3A_26] : memref<9633792xf32, #tpu.memory_space<hbm>> -> memref<37632xf32, #tpu.memory_space<hbm>>
      %dma_wait3A_77 = tpu.memref_slice %arg7[%add3A_26] : memref<9633792xf32, #tpu.memory_space<hbm>> -> memref<37632xf32, #tpu.memory_space<hbm>>
      tpu.wait_dma2 semaphore(%run_scoped3A : memref<!tpu.dma_semaphore, #tpu.memory_space<semaphore_mem>>) src(%arg13 : memref<37632xf32, #tpu.memory_space<vmem>>) dst(%dma_wait3A_77 : memref<37632xf32, #tpu.memory_space<hbm>>)
      tpu.yield
    }) : () -> ()
    %mul3A_30 = arith.constant 150528 : i32
    %mul3A_31 = arith.muli %add3A_4, %mul3A_30 : i32
    %add3A_32 = arith.constant 112896 : i32
    %add3A_33 = arith.addi %mul3A_31, %add3A_32 : i32
    "tpu.region"() ({
      %run_scoped3A = tpu.sem_alloc : memref<!tpu.dma_semaphore, #tpu.memory_space<semaphore_mem>>
      %dma_start3A = tpu.memref_slice %arg2[%add3A_33] : memref<9633792xf32, #tpu.memory_space<hbm>> -> memref<37632xf32, #tpu.memory_space<hbm>>
      %dma_start3A_76 = tpu.memref_slice %arg2[%add3A_33] : memref<9633792xf32, #tpu.memory_space<hbm>> -> memref<37632xf32, #tpu.memory_space<hbm>>
      tpu.enqueue_dma source(%dma_start3A_76 : memref<37632xf32, #tpu.memory_space<hbm>>) target(%arg11 : memref<37632xf32, #tpu.memory_space<vmem>>) target_semaphore(%run_scoped3A : memref<!tpu.dma_semaphore, #tpu.memory_space<semaphore_mem>>)
      %dma_wait3A = tpu.memref_slice %arg2[%add3A_33] : memref<9633792xf32, #tpu.memory_space<hbm>> -> memref<37632xf32, #tpu.memory_space<hbm>>
      %dma_wait3A_77 = tpu.memref_slice %arg2[%add3A_33] : memref<9633792xf32, #tpu.memory_space<hbm>> -> memref<37632xf32, #tpu.memory_space<hbm>>
      tpu.wait_dma2 semaphore(%run_scoped3A : memref<!tpu.dma_semaphore, #tpu.memory_space<semaphore_mem>>) src(%dma_wait3A_77 : memref<37632xf32, #tpu.memory_space<hbm>>) dst(%arg11 : memref<37632xf32, #tpu.memory_space<vmem>>)
      tpu.yield
    }) : () -> ()
    "tpu.region"() ({
      %run_scoped3A = tpu.sem_alloc : memref<!tpu.dma_semaphore, #tpu.memory_space<semaphore_mem>>
      %dma_start3A = tpu.memref_slice %arg4[%add3A_33] : memref<9633792xf32, #tpu.memory_space<hbm>> -> memref<37632xf32, #tpu.memory_space<hbm>>
      %dma_start3A_76 = tpu.memref_slice %arg4[%add3A_33] : memref<9633792xf32, #tpu.memory_space<hbm>> -> memref<37632xf32, #tpu.memory_space<hbm>>
      tpu.enqueue_dma source(%dma_start3A_76 : memref<37632xf32, #tpu.memory_space<hbm>>) target(%arg12 : memref<37632xf32, #tpu.memory_space<vmem>>) target_semaphore(%run_scoped3A : memref<!tpu.dma_semaphore, #tpu.memory_space<semaphore_mem>>)
      %dma_wait3A = tpu.memref_slice %arg4[%add3A_33] : memref<9633792xf32, #tpu.memory_space<hbm>> -> memref<37632xf32, #tpu.memory_space<hbm>>
      %dma_wait3A_77 = tpu.memref_slice %arg4[%add3A_33] : memref<9633792xf32, #tpu.memory_space<hbm>> -> memref<37632xf32, #tpu.memory_space<hbm>>
      tpu.wait_dma2 semaphore(%run_scoped3A : memref<!tpu.dma_semaphore, #tpu.memory_space<semaphore_mem>>) src(%dma_wait3A_77 : memref<37632xf32, #tpu.memory_space<hbm>>) dst(%arg12 : memref<37632xf32, #tpu.memory_space<vmem>>)
      tpu.yield
    }) : () -> ()
    %parallel_loop3A_34 = arith.constant 0 : i32
    %parallel_loop3A_35 = arith.constant 2352 : i32
    %parallel_loop3A_36 = arith.constant 1 : i32
    scf.for %parallel_loop3A_76 = %parallel_loop3A_34 to %parallel_loop3A_35 step %parallel_loop3A_36  : i32 {
      %parallel_loop3A_77 = arith.constant 16 : i32
      %parallel_loop3A_78 = arith.muli %parallel_loop3A_76, %parallel_loop3A_77 : i32
      %parallel_loop3A_79 = arith.index_cast %parallel_loop3A_78 : i32 to index
      %parallel_loop3A_80 = tpu.vector_load %arg11[%parallel_loop3A_79] {strides = array<i32>} : memref<37632xf32, #tpu.memory_space<vmem>>, vector<16xf32>,
      %parallel_loop3A_81 = arith.mulf %gather3A_8, %parallel_loop3A_80 : vector<16xf32>
      %parallel_loop3A_82 = arith.index_cast %parallel_loop3A_78 : i32 to index
      %parallel_loop3A_83 = tpu.vector_load %arg12[%parallel_loop3A_82] {strides = array<i32>} : memref<37632xf32, #tpu.memory_space<vmem>>, vector<16xf32>,
      %parallel_loop3A_84 = arith.mulf %gather3A_9, %parallel_loop3A_83 : vector<16xf32>
      %parallel_loop3A_85 = arith.addf %parallel_loop3A_81, %parallel_loop3A_84 : vector<16xf32>
      %parallel_loop3A_86 = arith.index_cast %parallel_loop3A_78 : i32 to index
      %parallel_loop3A_87 = tpu.vector_load %arg13[%parallel_loop3A_86] {strides = array<i32>} : memref<37632xf32, #tpu.memory_space<vmem>>, vector<16xf32>,
      tpu.vector_store %arg13[%parallel_loop3A_86], %parallel_loop3A_85 {strides = array<i32>} : memref<37632xf32, #tpu.memory_space<vmem>>, vector<16xf32>,
    } {sc.loop_unroll_factor = 8 : i64, sc.parallel_access}
    "tpu.region"() ({
      %run_scoped3A = tpu.sem_alloc : memref<!tpu.dma_semaphore, #tpu.memory_space<semaphore_mem>>
      %dma_start3A = tpu.memref_slice %arg7[%add3A_33] : memref<9633792xf32, #tpu.memory_space<hbm>> -> memref<37632xf32, #tpu.memory_space<hbm>>
      %dma_start3A_76 = tpu.memref_slice %arg7[%add3A_33] : memref<9633792xf32, #tpu.memory_space<hbm>> -> memref<37632xf32, #tpu.memory_space<hbm>>
      tpu.enqueue_dma source(%arg13 : memref<37632xf32, #tpu.memory_space<vmem>>) target(%dma_start3A_76 : memref<37632xf32, #tpu.memory_space<hbm>>) target_semaphore(%run_scoped3A : memref<!tpu.dma_semaphore, #tpu.memory_space<semaphore_mem>>)
      %dma_wait3A = tpu.memref_slice %arg7[%add3A_33] : memref<9633792xf32, #tpu.memory_space<hbm>> -> memref<37632xf32, #tpu.memory_space<hbm>>
      %dma_wait3A_77 = tpu.memref_slice %arg7[%add3A_33] : memref<9633792xf32, #tpu.memory_space<hbm>> -> memref<37632xf32, #tpu.memory_space<hbm>>
      tpu.wait_dma2 semaphore(%run_scoped3A : memref<!tpu.dma_semaphore, #tpu.memory_space<semaphore_mem>>) src(%arg13 : memref<37632xf32, #tpu.memory_space<vmem>>) dst(%dma_wait3A_77 : memref<37632xf32, #tpu.memory_space<hbm>>)
      tpu.yield
    }) : () -> ()
    %mul3A_37 = arith.constant 2 : i32
    %mul3A_38 = arith.muli %add3A, %mul3A_37 : i32
    %add3A_39 = arith.constant 1 : i32
    %add3A_40 = arith.addi %mul3A_38, %add3A_39 : i32
    %broadcast_in_dim3A_41 = arith.constant 0 : i32
    %broadcast_in_dim3A_42 = vector.broadcast %broadcast_in_dim3A_41 : i32 to vector<16xi32>
    %add3A_43 = vector.broadcast %add3A_40 : i32 to vector<16xi32>
    %add3A_44 = arith.addi %broadcast_in_dim3A_42, %add3A_43 : vector<16xi32>
    %gather3A_45 = tpu.vector_load_idx %arg10[%add3A_44] : memref<64xi32, #tpu.memory_space<vmem>>[vector<16xi32>], vector<16xi32>,
    %gather3A_46 = tpu.vector_load_idx %arg8[%gather3A_45] : memref<1000xf32, #tpu.memory_space<vmem>>[vector<16xi32>], vector<16xf32>,
    %gather3A_47 = tpu.vector_load_idx %arg9[%gather3A_45] : memref<1000xf32, #tpu.memory_space<vmem>>[vector<16xi32>], vector<16xf32>,
    %mul3A_48 = arith.constant 150528 : i32
    %mul3A_49 = arith.muli %add3A_40, %mul3A_48 : i32
    %add3A_50 = arith.constant 0 : i32
    %add3A_51 = arith.addi %mul3A_49, %add3A_50 : i32
    "tpu.region"() ({
      %run_scoped3A = tpu.sem_alloc : memref<!tpu.dma_semaphore, #tpu.memory_space<semaphore_mem>>
      %dma_start3A = tpu.memref_slice %arg2[%add3A_51] : memref<9633792xf32, #tpu.memory_space<hbm>> -> memref<37632xf32, #tpu.memory_space<hbm>>
      %dma_start3A_76 = tpu.memref_slice %arg2[%add3A_51] : memref<9633792xf32, #tpu.memory_space<hbm>> -> memref<37632xf32, #tpu.memory_space<hbm>>
      tpu.enqueue_dma source(%dma_start3A_76 : memref<37632xf32, #tpu.memory_space<hbm>>) target(%arg11 : memref<37632xf32, #tpu.memory_space<vmem>>) target_semaphore(%run_scoped3A : memref<!tpu.dma_semaphore, #tpu.memory_space<semaphore_mem>>)
      %dma_wait3A = tpu.memref_slice %arg2[%add3A_51] : memref<9633792xf32, #tpu.memory_space<hbm>> -> memref<37632xf32, #tpu.memory_space<hbm>>
      %dma_wait3A_77 = tpu.memref_slice %arg2[%add3A_51] : memref<9633792xf32, #tpu.memory_space<hbm>> -> memref<37632xf32, #tpu.memory_space<hbm>>
      tpu.wait_dma2 semaphore(%run_scoped3A : memref<!tpu.dma_semaphore, #tpu.memory_space<semaphore_mem>>) src(%dma_wait3A_77 : memref<37632xf32, #tpu.memory_space<hbm>>) dst(%arg11 : memref<37632xf32, #tpu.memory_space<vmem>>)
      tpu.yield
    }) : () -> ()
    "tpu.region"() ({
      %run_scoped3A = tpu.sem_alloc : memref<!tpu.dma_semaphore, #tpu.memory_space<semaphore_mem>>
      %dma_start3A = tpu.memref_slice %arg4[%add3A_51] : memref<9633792xf32, #tpu.memory_space<hbm>> -> memref<37632xf32, #tpu.memory_space<hbm>>
      %dma_start3A_76 = tpu.memref_slice %arg4[%add3A_51] : memref<9633792xf32, #tpu.memory_space<hbm>> -> memref<37632xf32, #tpu.memory_space<hbm>>
      tpu.enqueue_dma source(%dma_start3A_76 : memref<37632xf32, #tpu.memory_space<hbm>>) target(%arg12 : memref<37632xf32, #tpu.memory_space<vmem>>) target_semaphore(%run_scoped3A : memref<!tpu.dma_semaphore, #tpu.memory_space<semaphore_mem>>)
      %dma_wait3A = tpu.memref_slice %arg4[%add3A_51] : memref<9633792xf32, #tpu.memory_space<hbm>> -> memref<37632xf32, #tpu.memory_space<hbm>>
      %dma_wait3A_77 = tpu.memref_slice %arg4[%add3A_51] : memref<9633792xf32, #tpu.memory_space<hbm>> -> memref<37632xf32, #tpu.memory_space<hbm>>
      tpu.wait_dma2 semaphore(%run_scoped3A : memref<!tpu.dma_semaphore, #tpu.memory_space<semaphore_mem>>) src(%dma_wait3A_77 : memref<37632xf32, #tpu.memory_space<hbm>>) dst(%arg12 : memref<37632xf32, #tpu.memory_space<vmem>>)
      tpu.yield
    }) : () -> ()
    %parallel_loop3A_52 = arith.constant 0 : i32
    %parallel_loop3A_53 = arith.constant 2352 : i32
    %parallel_loop3A_54 = arith.constant 1 : i32
    scf.for %parallel_loop3A_76 = %parallel_loop3A_52 to %parallel_loop3A_53 step %parallel_loop3A_54  : i32 {
      %parallel_loop3A_77 = arith.constant 16 : i32
      %parallel_loop3A_78 = arith.muli %parallel_loop3A_76, %parallel_loop3A_77 : i32
      %parallel_loop3A_79 = arith.index_cast %parallel_loop3A_78 : i32 to index
      %parallel_loop3A_80 = tpu.vector_load %arg11[%parallel_loop3A_79] {strides = array<i32>} : memref<37632xf32, #tpu.memory_space<vmem>>, vector<16xf32>,
      %parallel_loop3A_81 = arith.mulf %gather3A_46, %parallel_loop3A_80 : vector<16xf32>
      %parallel_loop3A_82 = arith.index_cast %parallel_loop3A_78 : i32 to index
      %parallel_loop3A_83 = tpu.vector_load %arg12[%parallel_loop3A_82] {strides = array<i32>} : memref<37632xf32, #tpu.memory_space<vmem>>, vector<16xf32>,
      %parallel_loop3A_84 = arith.mulf %gather3A_47, %parallel_loop3A_83 : vector<16xf32>
      %parallel_loop3A_85 = arith.addf %parallel_loop3A_81, %parallel_loop3A_84 : vector<16xf32>
      %parallel_loop3A_86 = arith.index_cast %parallel_loop3A_78 : i32 to index
      %parallel_loop3A_87 = tpu.vector_load %arg13[%parallel_loop3A_86] {strides = array<i32>} : memref<37632xf32, #tpu.memory_space<vmem>>, vector<16xf32>,
      tpu.vector_store %arg13[%parallel_loop3A_86], %parallel_loop3A_85 {strides = array<i32>} : memref<37632xf32, #tpu.memory_space<vmem>>, vector<16xf32>,
    } {sc.loop_unroll_factor = 8 : i64, sc.parallel_access}
    "tpu.region"() ({
      %run_scoped3A = tpu.sem_alloc : memref<!tpu.dma_semaphore, #tpu.memory_space<semaphore_mem>>
      %dma_start3A = tpu.memref_slice %arg7[%add3A_51] : memref<9633792xf32, #tpu.memory_space<hbm>> -> memref<37632xf32, #tpu.memory_space<hbm>>
      %dma_start3A_76 = tpu.memref_slice %arg7[%add3A_51] : memref<9633792xf32, #tpu.memory_space<hbm>> -> memref<37632xf32, #tpu.memory_space<hbm>>
      tpu.enqueue_dma source(%arg13 : memref<37632xf32, #tpu.memory_space<vmem>>) target(%dma_start3A_76 : memref<37632xf32, #tpu.memory_space<hbm>>) target_semaphore(%run_scoped3A : memref<!tpu.dma_semaphore, #tpu.memory_space<semaphore_mem>>)
      %dma_wait3A = tpu.memref_slice %arg7[%add3A_51] : memref<9633792xf32, #tpu.memory_space<hbm>> -> memref<37632xf32, #tpu.memory_space<hbm>>
      %dma_wait3A_77 = tpu.memref_slice %arg7[%add3A_51] : memref<9633792xf32, #tpu.memory_space<hbm>> -> memref<37632xf32, #tpu.memory_space<hbm>>
      tpu.wait_dma2 semaphore(%run_scoped3A : memref<!tpu.dma_semaphore, #tpu.memory_space<semaphore_mem>>) src(%arg13 : memref<37632xf32, #tpu.memory_space<vmem>>) dst(%dma_wait3A_77 : memref<37632xf32, #tpu.memory_space<hbm>>)
      tpu.yield
    }) : () -> ()
    %mul3A_55 = arith.constant 150528 : i32
    %mul3A_56 = arith.muli %add3A_40, %mul3A_55 : i32
    %add3A_57 = arith.constant 37632 : i32
    %add3A_58 = arith.addi %mul3A_56, %add3A_57 : i32
    "tpu.region"() ({
      %run_scoped3A = tpu.sem_alloc : memref<!tpu.dma_semaphore, #tpu.memory_space<semaphore_mem>>
      %dma_start3A = tpu.memref_slice %arg2[%add3A_58] : memref<9633792xf32, #tpu.memory_space<hbm>> -> memref<37632xf32, #tpu.memory_space<hbm>>
      %dma_start3A_76 = tpu.memref_slice %arg2[%add3A_58] : memref<9633792xf32, #tpu.memory_space<hbm>> -> memref<37632xf32, #tpu.memory_space<hbm>>
      tpu.enqueue_dma source(%dma_start3A_76 : memref<37632xf32, #tpu.memory_space<hbm>>) target(%arg11 : memref<37632xf32, #tpu.memory_space<vmem>>) target_semaphore(%run_scoped3A : memref<!tpu.dma_semaphore, #tpu.memory_space<semaphore_mem>>)
      %dma_wait3A = tpu.memref_slice %arg2[%add3A_58] : memref<9633792xf32, #tpu.memory_space<hbm>> -> memref<37632xf32, #tpu.memory_space<hbm>>
      %dma_wait3A_77 = tpu.memref_slice %arg2[%add3A_58] : memref<9633792xf32, #tpu.memory_space<hbm>> -> memref<37632xf32, #tpu.memory_space<hbm>>
      tpu.wait_dma2 semaphore(%run_scoped3A : memref<!tpu.dma_semaphore, #tpu.memory_space<semaphore_mem>>) src(%dma_wait3A_77 : memref<37632xf32, #tpu.memory_space<hbm>>) dst(%arg11 : memref<37632xf32, #tpu.memory_space<vmem>>)
      tpu.yield
    }) : () -> ()
    "tpu.region"() ({
      %run_scoped3A = tpu.sem_alloc : memref<!tpu.dma_semaphore, #tpu.memory_space<semaphore_mem>>
      %dma_start3A = tpu.memref_slice %arg4[%add3A_58] : memref<9633792xf32, #tpu.memory_space<hbm>> -> memref<37632xf32, #tpu.memory_space<hbm>>
      %dma_start3A_76 = tpu.memref_slice %arg4[%add3A_58] : memref<9633792xf32, #tpu.memory_space<hbm>> -> memref<37632xf32, #tpu.memory_space<hbm>>
      tpu.enqueue_dma source(%dma_start3A_76 : memref<37632xf32, #tpu.memory_space<hbm>>) target(%arg12 : memref<37632xf32, #tpu.memory_space<vmem>>) target_semaphore(%run_scoped3A : memref<!tpu.dma_semaphore, #tpu.memory_space<semaphore_mem>>)
      %dma_wait3A = tpu.memref_slice %arg4[%add3A_58] : memref<9633792xf32, #tpu.memory_space<hbm>> -> memref<37632xf32, #tpu.memory_space<hbm>>
      %dma_wait3A_77 = tpu.memref_slice %arg4[%add3A_58] : memref<9633792xf32, #tpu.memory_space<hbm>> -> memref<37632xf32, #tpu.memory_space<hbm>>
      tpu.wait_dma2 semaphore(%run_scoped3A : memref<!tpu.dma_semaphore, #tpu.memory_space<semaphore_mem>>) src(%dma_wait3A_77 : memref<37632xf32, #tpu.memory_space<hbm>>) dst(%arg12 : memref<37632xf32, #tpu.memory_space<vmem>>)
      tpu.yield
    }) : () -> ()
    %parallel_loop3A_59 = arith.constant 0 : i32
    %parallel_loop3A_60 = arith.constant 2352 : i32
    %parallel_loop3A_61 = arith.constant 1 : i32
    scf.for %parallel_loop3A_76 = %parallel_loop3A_59 to %parallel_loop3A_60 step %parallel_loop3A_61  : i32 {
      %parallel_loop3A_77 = arith.constant 16 : i32
      %parallel_loop3A_78 = arith.muli %parallel_loop3A_76, %parallel_loop3A_77 : i32
      %parallel_loop3A_79 = arith.index_cast %parallel_loop3A_78 : i32 to index
      %parallel_loop3A_80 = tpu.vector_load %arg11[%parallel_loop3A_79] {strides = array<i32>} : memref<37632xf32, #tpu.memory_space<vmem>>, vector<16xf32>,
      %parallel_loop3A_81 = arith.mulf %gather3A_46, %parallel_loop3A_80 : vector<16xf32>
      %parallel_loop3A_82 = arith.index_cast %parallel_loop3A_78 : i32 to index
      %parallel_loop3A_83 = tpu.vector_load %arg12[%parallel_loop3A_82] {strides = array<i32>} : memref<37632xf32, #tpu.memory_space<vmem>>, vector<16xf32>,
      %parallel_loop3A_84 = arith.mulf %gather3A_47, %parallel_loop3A_83 : vector<16xf32>
      %parallel_loop3A_85 = arith.addf %parallel_loop3A_81, %parallel_loop3A_84 : vector<16xf32>
      %parallel_loop3A_86 = arith.index_cast %parallel_loop3A_78 : i32 to index
      %parallel_loop3A_87 = tpu.vector_load %arg13[%parallel_loop3A_86] {strides = array<i32>} : memref<37632xf32, #tpu.memory_space<vmem>>, vector<16xf32>,
      tpu.vector_store %arg13[%parallel_loop3A_86], %parallel_loop3A_85 {strides = array<i32>} : memref<37632xf32, #tpu.memory_space<vmem>>, vector<16xf32>,
    } {sc.loop_unroll_factor = 8 : i64, sc.parallel_access}
    "tpu.region"() ({
      %run_scoped3A = tpu.sem_alloc : memref<!tpu.dma_semaphore, #tpu.memory_space<semaphore_mem>>
      %dma_start3A = tpu.memref_slice %arg7[%add3A_58] : memref<9633792xf32, #tpu.memory_space<hbm>> -> memref<37632xf32, #tpu.memory_space<hbm>>
      %dma_start3A_76 = tpu.memref_slice %arg7[%add3A_58] : memref<9633792xf32, #tpu.memory_space<hbm>> -> memref<37632xf32, #tpu.memory_space<hbm>>
      tpu.enqueue_dma source(%arg13 : memref<37632xf32, #tpu.memory_space<vmem>>) target(%dma_start3A_76 : memref<37632xf32, #tpu.memory_space<hbm>>) target_semaphore(%run_scoped3A : memref<!tpu.dma_semaphore, #tpu.memory_space<semaphore_mem>>)
      %dma_wait3A = tpu.memref_slice %arg7[%add3A_58] : memref<9633792xf32, #tpu.memory_space<hbm>> -> memref<37632xf32, #tpu.memory_space<hbm>>
      %dma_wait3A_77 = tpu.memref_slice %arg7[%add3A_58] : memref<9633792xf32, #tpu.memory_space<hbm>> -> memref<37632xf32, #tpu.memory_space<hbm>>
      tpu.wait_dma2 semaphore(%run_scoped3A : memref<!tpu.dma_semaphore, #tpu.memory_space<semaphore_mem>>) src(%arg13 : memref<37632xf32, #tpu.memory_space<vmem>>) dst(%dma_wait3A_77 : memref<37632xf32, #tpu.memory_space<hbm>>)
      tpu.yield
    }) : () -> ()
    %mul3A_62 = arith.constant 150528 : i32
    %mul3A_63 = arith.muli %add3A_40, %mul3A_62 : i32
    %add3A_64 = arith.constant 75264 : i32
    %add3A_65 = arith.addi %mul3A_63, %add3A_64 : i32
    "tpu.region"() ({
      %run_scoped3A = tpu.sem_alloc : memref<!tpu.dma_semaphore, #tpu.memory_space<semaphore_mem>>
      %dma_start3A = tpu.memref_slice %arg2[%add3A_65] : memref<9633792xf32, #tpu.memory_space<hbm>> -> memref<37632xf32, #tpu.memory_space<hbm>>
      %dma_start3A_76 = tpu.memref_slice %arg2[%add3A_65] : memref<9633792xf32, #tpu.memory_space<hbm>> -> memref<37632xf32, #tpu.memory_space<hbm>>
      tpu.enqueue_dma source(%dma_start3A_76 : memref<37632xf32, #tpu.memory_space<hbm>>) target(%arg11 : memref<37632xf32, #tpu.memory_space<vmem>>) target_semaphore(%run_scoped3A : memref<!tpu.dma_semaphore, #tpu.memory_space<semaphore_mem>>)
      %dma_wait3A = tpu.memref_slice %arg2[%add3A_65] : memref<9633792xf32, #tpu.memory_space<hbm>> -> memref<37632xf32, #tpu.memory_space<hbm>>
      %dma_wait3A_77 = tpu.memref_slice %arg2[%add3A_65] : memref<9633792xf32, #tpu.memory_space<hbm>> -> memref<37632xf32, #tpu.memory_space<hbm>>
      tpu.wait_dma2 semaphore(%run_scoped3A : memref<!tpu.dma_semaphore, #tpu.memory_space<semaphore_mem>>) src(%dma_wait3A_77 : memref<37632xf32, #tpu.memory_space<hbm>>) dst(%arg11 : memref<37632xf32, #tpu.memory_space<vmem>>)
      tpu.yield
    }) : () -> ()
    "tpu.region"() ({
      %run_scoped3A = tpu.sem_alloc : memref<!tpu.dma_semaphore, #tpu.memory_space<semaphore_mem>>
      %dma_start3A = tpu.memref_slice %arg4[%add3A_65] : memref<9633792xf32, #tpu.memory_space<hbm>> -> memref<37632xf32, #tpu.memory_space<hbm>>
      %dma_start3A_76 = tpu.memref_slice %arg4[%add3A_65] : memref<9633792xf32, #tpu.memory_space<hbm>> -> memref<37632xf32, #tpu.memory_space<hbm>>
      tpu.enqueue_dma source(%dma_start3A_76 : memref<37632xf32, #tpu.memory_space<hbm>>) target(%arg12 : memref<37632xf32, #tpu.memory_space<vmem>>) target_semaphore(%run_scoped3A : memref<!tpu.dma_semaphore, #tpu.memory_space<semaphore_mem>>)
      %dma_wait3A = tpu.memref_slice %arg4[%add3A_65] : memref<9633792xf32, #tpu.memory_space<hbm>> -> memref<37632xf32, #tpu.memory_space<hbm>>
      %dma_wait3A_77 = tpu.memref_slice %arg4[%add3A_65] : memref<9633792xf32, #tpu.memory_space<hbm>> -> memref<37632xf32, #tpu.memory_space<hbm>>
      tpu.wait_dma2 semaphore(%run_scoped3A : memref<!tpu.dma_semaphore, #tpu.memory_space<semaphore_mem>>) src(%dma_wait3A_77 : memref<37632xf32, #tpu.memory_space<hbm>>) dst(%arg12 : memref<37632xf32, #tpu.memory_space<vmem>>)
      tpu.yield
    }) : () -> ()
    %parallel_loop3A_66 = arith.constant 0 : i32
    %parallel_loop3A_67 = arith.constant 2352 : i32
    %parallel_loop3A_68 = arith.constant 1 : i32
    scf.for %parallel_loop3A_76 = %parallel_loop3A_66 to %parallel_loop3A_67 step %parallel_loop3A_68  : i32 {
      %parallel_loop3A_77 = arith.constant 16 : i32
      %parallel_loop3A_78 = arith.muli %parallel_loop3A_76, %parallel_loop3A_77 : i32
      %parallel_loop3A_79 = arith.index_cast %parallel_loop3A_78 : i32 to index
      %parallel_loop3A_80 = tpu.vector_load %arg11[%parallel_loop3A_79] {strides = array<i32>} : memref<37632xf32, #tpu.memory_space<vmem>>, vector<16xf32>,
      %parallel_loop3A_81 = arith.mulf %gather3A_46, %parallel_loop3A_80 : vector<16xf32>
      %parallel_loop3A_82 = arith.index_cast %parallel_loop3A_78 : i32 to index
      %parallel_loop3A_83 = tpu.vector_load %arg12[%parallel_loop3A_82] {strides = array<i32>} : memref<37632xf32, #tpu.memory_space<vmem>>, vector<16xf32>,
      %parallel_loop3A_84 = arith.mulf %gather3A_47, %parallel_loop3A_83 : vector<16xf32>
      %parallel_loop3A_85 = arith.addf %parallel_loop3A_81, %parallel_loop3A_84 : vector<16xf32>
      %parallel_loop3A_86 = arith.index_cast %parallel_loop3A_78 : i32 to index
      %parallel_loop3A_87 = tpu.vector_load %arg13[%parallel_loop3A_86] {strides = array<i32>} : memref<37632xf32, #tpu.memory_space<vmem>>, vector<16xf32>,
      tpu.vector_store %arg13[%parallel_loop3A_86], %parallel_loop3A_85 {strides = array<i32>} : memref<37632xf32, #tpu.memory_space<vmem>>, vector<16xf32>,
    } {sc.loop_unroll_factor = 8 : i64, sc.parallel_access}
    "tpu.region"() ({
      %run_scoped3A = tpu.sem_alloc : memref<!tpu.dma_semaphore, #tpu.memory_space<semaphore_mem>>
      %dma_start3A = tpu.memref_slice %arg7[%add3A_65] : memref<9633792xf32, #tpu.memory_space<hbm>> -> memref<37632xf32, #tpu.memory_space<hbm>>
      %dma_start3A_76 = tpu.memref_slice %arg7[%add3A_65] : memref<9633792xf32, #tpu.memory_space<hbm>> -> memref<37632xf32, #tpu.memory_space<hbm>>
      tpu.enqueue_dma source(%arg13 : memref<37632xf32, #tpu.memory_space<vmem>>) target(%dma_start3A_76 : memref<37632xf32, #tpu.memory_space<hbm>>) target_semaphore(%run_scoped3A : memref<!tpu.dma_semaphore, #tpu.memory_space<semaphore_mem>>)
      %dma_wait3A = tpu.memref_slice %arg7[%add3A_65] : memref<9633792xf32, #tpu.memory_space<hbm>> -> memref<37632xf32, #tpu.memory_space<hbm>>
      %dma_wait3A_77 = tpu.memref_slice %arg7[%add3A_65] : memref<9633792xf32, #tpu.memory_space<hbm>> -> memref<37632xf32, #tpu.memory_space<hbm>>
      tpu.wait_dma2 semaphore(%run_scoped3A : memref<!tpu.dma_semaphore, #tpu.memory_space<semaphore_mem>>) src(%arg13 : memref<37632xf32, #tpu.memory_space<vmem>>) dst(%dma_wait3A_77 : memref<37632xf32, #tpu.memory_space<hbm>>)
      tpu.yield
    }) : () -> ()
    %mul3A_69 = arith.constant 150528 : i32
    %mul3A_70 = arith.muli %add3A_40, %mul3A_69 : i32
    %add3A_71 = arith.constant 112896 : i32
    %add3A_72 = arith.addi %mul3A_70, %add3A_71 : i32
    "tpu.region"() ({
      %run_scoped3A = tpu.sem_alloc : memref<!tpu.dma_semaphore, #tpu.memory_space<semaphore_mem>>
      %dma_start3A = tpu.memref_slice %arg2[%add3A_72] : memref<9633792xf32, #tpu.memory_space<hbm>> -> memref<37632xf32, #tpu.memory_space<hbm>>
      %dma_start3A_76 = tpu.memref_slice %arg2[%add3A_72] : memref<9633792xf32, #tpu.memory_space<hbm>> -> memref<37632xf32, #tpu.memory_space<hbm>>
      tpu.enqueue_dma source(%dma_start3A_76 : memref<37632xf32, #tpu.memory_space<hbm>>) target(%arg11 : memref<37632xf32, #tpu.memory_space<vmem>>) target_semaphore(%run_scoped3A : memref<!tpu.dma_semaphore, #tpu.memory_space<semaphore_mem>>)
      %dma_wait3A = tpu.memref_slice %arg2[%add3A_72] : memref<9633792xf32, #tpu.memory_space<hbm>> -> memref<37632xf32, #tpu.memory_space<hbm>>
      %dma_wait3A_77 = tpu.memref_slice %arg2[%add3A_72] : memref<9633792xf32, #tpu.memory_space<hbm>> -> memref<37632xf32, #tpu.memory_space<hbm>>
      tpu.wait_dma2 semaphore(%run_scoped3A : memref<!tpu.dma_semaphore, #tpu.memory_space<semaphore_mem>>) src(%dma_wait3A_77 : memref<37632xf32, #tpu.memory_space<hbm>>) dst(%arg11 : memref<37632xf32, #tpu.memory_space<vmem>>)
      tpu.yield
    }) : () -> ()
    "tpu.region"() ({
      %run_scoped3A = tpu.sem_alloc : memref<!tpu.dma_semaphore, #tpu.memory_space<semaphore_mem>>
      %dma_start3A = tpu.memref_slice %arg4[%add3A_72] : memref<9633792xf32, #tpu.memory_space<hbm>> -> memref<37632xf32, #tpu.memory_space<hbm>>
      %dma_start3A_76 = tpu.memref_slice %arg4[%add3A_72] : memref<9633792xf32, #tpu.memory_space<hbm>> -> memref<37632xf32, #tpu.memory_space<hbm>>
      tpu.enqueue_dma source(%dma_start3A_76 : memref<37632xf32, #tpu.memory_space<hbm>>) target(%arg12 : memref<37632xf32, #tpu.memory_space<vmem>>) target_semaphore(%run_scoped3A : memref<!tpu.dma_semaphore, #tpu.memory_space<semaphore_mem>>)
      %dma_wait3A = tpu.memref_slice %arg4[%add3A_72] : memref<9633792xf32, #tpu.memory_space<hbm>> -> memref<37632xf32, #tpu.memory_space<hbm>>
      %dma_wait3A_77 = tpu.memref_slice %arg4[%add3A_72] : memref<9633792xf32, #tpu.memory_space<hbm>> -> memref<37632xf32, #tpu.memory_space<hbm>>
      tpu.wait_dma2 semaphore(%run_scoped3A : memref<!tpu.dma_semaphore, #tpu.memory_space<semaphore_mem>>) src(%dma_wait3A_77 : memref<37632xf32, #tpu.memory_space<hbm>>) dst(%arg12 : memref<37632xf32, #tpu.memory_space<vmem>>)
      tpu.yield
    }) : () -> ()
    %parallel_loop3A_73 = arith.constant 0 : i32
    %parallel_loop3A_74 = arith.constant 2352 : i32
    %parallel_loop3A_75 = arith.constant 1 : i32
    scf.for %parallel_loop3A_76 = %parallel_loop3A_73 to %parallel_loop3A_74 step %parallel_loop3A_75  : i32 {
      %parallel_loop3A_77 = arith.constant 16 : i32
      %parallel_loop3A_78 = arith.muli %parallel_loop3A_76, %parallel_loop3A_77 : i32
      %parallel_loop3A_79 = arith.index_cast %parallel_loop3A_78 : i32 to index
      %parallel_loop3A_80 = tpu.vector_load %arg11[%parallel_loop3A_79] {strides = array<i32>} : memref<37632xf32, #tpu.memory_space<vmem>>, vector<16xf32>,
      %parallel_loop3A_81 = arith.mulf %gather3A_46, %parallel_loop3A_80 : vector<16xf32>
      %parallel_loop3A_82 = arith.index_cast %parallel_loop3A_78 : i32 to index
      %parallel_loop3A_83 = tpu.vector_load %arg12[%parallel_loop3A_82] {strides = array<i32>} : memref<37632xf32, #tpu.memory_space<vmem>>, vector<16xf32>,
      %parallel_loop3A_84 = arith.mulf %gather3A_47, %parallel_loop3A_83 : vector<16xf32>
      %parallel_loop3A_85 = arith.addf %parallel_loop3A_81, %parallel_loop3A_84 : vector<16xf32>
      %parallel_loop3A_86 = arith.index_cast %parallel_loop3A_78 : i32 to index
      %parallel_loop3A_87 = tpu.vector_load %arg13[%parallel_loop3A_86] {strides = array<i32>} : memref<37632xf32, #tpu.memory_space<vmem>>, vector<16xf32>,
      tpu.vector_store %arg13[%parallel_loop3A_86], %parallel_loop3A_85 {strides = array<i32>} : memref<37632xf32, #tpu.memory_space<vmem>>, vector<16xf32>,
    } {sc.loop_unroll_factor = 8 : i64, sc.parallel_access}
    "tpu.region"() ({
      %run_scoped3A = tpu.sem_alloc : memref<!tpu.dma_semaphore, #tpu.memory_space<semaphore_mem>>
      %dma_start3A = tpu.memref_slice %arg7[%add3A_72] : memref<9633792xf32, #tpu.memory_space<hbm>> -> memref<37632xf32, #tpu.memory_space<hbm>>
      %dma_start3A_76 = tpu.memref_slice %arg7[%add3A_72] : memref<9633792xf32, #tpu.memory_space<hbm>> -> memref<37632xf32, #tpu.memory_space<hbm>>
      tpu.enqueue_dma source(%arg13 : memref<37632xf32, #tpu.memory_space<vmem>>) target(%dma_start3A_76 : memref<37632xf32, #tpu.memory_space<hbm>>) target_semaphore(%run_scoped3A : memref<!tpu.dma_semaphore, #tpu.memory_space<semaphore_mem>>)
      %dma_wait3A = tpu.memref_slice %arg7[%add3A_72] : memref<9633792xf32, #tpu.memory_space<hbm>> -> memref<37632xf32, #tpu.memory_space<hbm>>
      %dma_wait3A_77 = tpu.memref_slice %arg7[%add3A_72] : memref<9633792xf32, #tpu.memory_space<hbm>> -> memref<37632xf32, #tpu.memory_space<hbm>>
      tpu.wait_dma2 semaphore(%run_scoped3A : memref<!tpu.dma_semaphore, #tpu.memory_space<semaphore_mem>>) src(%arg13 : memref<37632xf32, #tpu.memory_space<vmem>>) dst(%dma_wait3A_77 : memref<37632xf32, #tpu.memory_space<hbm>>)
      tpu.yield
    }) : () -> ()
    return
  }
}

</mosaic_0001>

<sc_bundles>
// kernel: kernel.3.cloned.1.call-start
scs
__scs_entry_jumppad:
0x0: {  	(pc) =	sbr.rel $0x88, $3  }
0x1: {  	(tag) =	ssettag $0x0;
	lr =	simm.s32 $0x1  }
0x2: {  	[smem:$0x3F9C] =	sst lr;
	_ =	strace $0xD0000000  }
0x3: {  	_ = 	snop  }
0x4: {  	_ = 	snop  }
0x5: {  	_ = 	snop  }
0x6: {  	_ = 	snop  }
0x7: {  	_ = 	snop  }
__scs_overlays_trampoline_lowered:
0x8: {  	[smem:$0x3FAB] =	sst s0  }
0x9: {  	[smem:$0x3FAC] =	sst s1  }
0xa: {  	[smem:$0x3FAD] =	sst s2  }
0xb: {  	[smem:$0x3FAE] =	sst s3  }
0xc: {  	[smem:$0x3FAF] =	sst s4  }
0xd: {  	[smem:$0x3FB0] =	sst s5  }
0xe: {  	[smem:$0x3FB1] =	sst s6  }
0xf: {  	[smem:$0x3FB2] =	sst s7  }
0x10: {  	[smem:$0x3FB3] =	sst s8  }
0x11: {  	[smem:$0x3FB4] =	sst s9;
	s0 =	simm.s32 @!p0 $0x0  }
0x12: {  	s1 =	sld [smem:$0x3F9A];
	s0 =	simm.s32 @p0 $0x1  }
0x13: {  	[smem:$0x3FB5] =	sst s0;
	s0 =	simm.s32 @!p1 $0x0  }
0x14: {  	s2 =	sld [smem:$0x3F99];
	s0 =	simm.s32 @p1 $0x1  }
0x15: {  	[smem:$0x3FB6] =	sst s0;
	s0 =	simm.s32 @!p2 $0x0  }
0x16: {  	s3 =	sld [smem:$0x3FDB];
	s0 =	simm.s32 @p2 $0x1  }
0x17: {  	s4 =	simm.s32 $0x1BF5;
	[smem:$0x3FB8] =	sst s0  }
0x18: {  	s0 =	sld [smem:$0x3F9B];
	_ =	swait.ge [sflag:s4], $0x0  }
0x19: {  	s7 =	sld [smem:$0x3F9C]  }
0x1a: {  	s8 =	sadd.s32 $0xFFFFE003, lr  }
0x1b: {  	s9 =	sadd.s32 $0xFFFFFEF7, lr;
	s5 =	simm.s32 $0xFFFFFFFF;
	p2 =	slt.u32 s8, $0xFFFFF086  }
0x1c: {  	p1 =	slt.u32 s9, $0xF7A;
	s5 =	simm.s32 @!p2 $0x0  }
0x1d: {  	s5 =	simm.s32 @p1 $0x1;
	p0 =	seq.s32 s7, s2  }
0x1e: {  	s7 =	smul.u32 @!p0 $0xF7A, s2;
	p2 =	seq.s32 @!p0 s5, $0x0  }
0x1f: {  	s9 =	smul.u32 $0xF7A, s1;
	s8 =	simm.s32 @!p0 $0x1BF5;
	p2 =	por !p2, p0  }
0x20: {  	[sflag:s8] =	ssyncset.s32 @!p0 $0xFFFFF086;
	s6 =	sadd.s32 @!p0 s3, s7;
	s7 =	simm.s32 @!p0 $0x108  }
0x21: {  	s3 =	sadd.s32 s3, s9;
	s6 =	sadd.s32 @!p0 $0x88, s6;
	s7 =	simm.s32 @p2 $0x1082  }
0x22: {  	[simem:s7], [sflag:s8] =	dma.local @!p0 [hbm:s6], $0xF7A  }
0x23: {  	s9 =	sor.u32 $0xD0000000, s2;
	s6 =	simm.s32 $0x108;
	_ =	swait.ge @!p0 [sflag:s8], $0x0  }
0x24: {  	s3 =	sadd.s32 $0x88, s3;
	s6 =	simm.s32 @!p1 $0x1082;
	[sflag:s4] =	ssyncset.s32 $0xFFFFF086  }
0x25: {  	[simem:s6], [sflag:s4] =	dma.local [hbm:s3], $0xF7A  }
0x26: {  	[smem:$0x3F9C] =	sst s1;
	(tag) =	ssettag s2;
	_ =	strace s9  }
0x27: {  	s1 =	sld [smem:$0x3FAC]  }
0x28: {  	s2 =	sld [smem:$0x3FAD]  }
0x29: {  	s4 =	sld [smem:$0x3FAF]  }
0x2a: {  	p0 =	seq.s32 s5, $0x0;
	s5 =	sld [smem:$0x3FB0]  }
0x2b: {  	s6 =	sld [smem:$0x3FB1]  }
0x2c: {  	s7 =	sld [smem:$0x3FB2]  }
0x2d: {  	s3 =	simm.s32 $0x108;
	s8 =	sld [smem:$0x3FB3]  }
0x2e: {  	s3 =	simm.s32 @!p0 $0x1082;
	s9 =	sld [smem:$0x3FB4]  }
0x2f: {  	lr =	sadd.s32 s0, s3;
	s0 =	sld [smem:$0x3FAB]  }
0x30: {  	s3 =	sld [smem:$0x3FAE]  }
0x31: {  	[smem:$0x3FB7] =	sst s10  }
0x32: {  	s10 =	sld [smem:$0x3FB5];
	_ =	sdelay $0x3  }
0x33: {  	p0 =	seq.s32 s10, $0x1;
	s10 =	sld [smem:$0x3FB7];
	_ =	sdelay $0x3  }
0x34: {  	[smem:$0x3FB7] =	sst s10  }
0x35: {  	s10 =	sld [smem:$0x3FB6];
	_ =	sdelay $0x3  }
0x36: {  	p1 =	seq.s32 s10, $0x1;
	s10 =	sld [smem:$0x3FB7];
	_ =	sdelay $0x3  }
0x37: {  	[smem:$0x3FB7] =	sst s10  }
0x38: {  	s10 =	sld [smem:$0x3FB8]  }
0x39: {  	_ = 	snop;
	(pc) =	sbr.ind lr, $3  }
0x3a: {  	_ = 	snop  }
0x3b: {  	_ = 	snop  }
0x3c: {  	p2 =	seq.s32 s10, $0x1;
	s10 =	sld [smem:$0x3FB7]  }
0x3d: {  	_ =	shalt  }
0x3e: {  	_ =	shalt  }
0x3f: {  	_ =	shalt  }
0x40: {  	_ =	shalt  }
0x41: {  	_ =	shalt  }
0x42: {  	_ =	shalt  }
0x43: {  	_ =	shalt  }
0x44: {  	_ =	shalt  }
0x45: {  	_ =	shalt  }
0x46: {  	_ =	shalt  }
0x47: {  	_ =	shalt  }
0x48: {  	_ =	shalt  }
0x49: {  	_ =	shalt  }
0x4a: {  	_ =	shalt  }
0x4b: {  	_ =	shalt  }
0x4c: {  	_ =	shalt  }
0x4d: {  	_ =	shalt  }
0x4e: {  	_ =	shalt  }
0x4f: {  	_ =	shalt  }
0x50: {  	_ =	shalt  }
0x51: {  	_ =	shalt  }
0x52: {  	_ =	shalt  }
0x53: {  	_ =	shalt  }
0x54: {  	_ =	shalt  }
0x55: {  	_ =	shalt  }
0x56: {  	_ =	shalt  }
0x57: {  	_ =	shalt  }
0x58: {  	_ =	shalt  }
0x59: {  	_ =	shalt  }
0x5a: {  	_ =	shalt  }
0x5b: {  	_ =	shalt  }
0x5c: {  	_ =	shalt  }
0x5d: {  	_ =	shalt  }
0x5e: {  	_ =	shalt  }
0x5f: {  	_ =	shalt  }
0x60: {  	_ =	shalt  }
0x61: {  	_ =	shalt  }
0x62: {  	_ =	shalt  }
0x63: {  	_ =	shalt  }
0x64: {  	_ =	shalt  }
0x65: {  	_ =	shalt  }
0x66: {  	_ =	shalt  }
0x67: {  	_ =	shalt  }
0x68: {  	_ =	shalt  }
0x69: {  	_ =	shalt  }
0x6a: {  	_ =	shalt  }
0x6b: {  	_ =	shalt  }
0x6c: {  	_ =	shalt  }
0x6d: {  	_ =	shalt  }
0x6e: {  	_ =	shalt  }
0x6f: {  	_ =	shalt  }
0x70: {  	_ =	shalt  }
0x71: {  	_ =	shalt  }
0x72: {  	_ =	shalt  }
0x73: {  	_ =	shalt  }
0x74: {  	_ =	shalt  }
0x75: {  	_ =	shalt  }
0x76: {  	_ =	shalt  }
0x77: {  	_ =	shalt  }
0x78: {  	_ =	shalt  }
0x79: {  	_ =	shalt  }
0x7a: {  	_ =	shalt  }
0x7b: {  	_ =	shalt  }
0x7c: {  	_ =	shalt  }
0x7d: {  	_ =	shalt  }
0x7e: {  	_ =	shalt  }
0x7f: {  	_ =	shalt  }
0x80: {  	_ =	shalt  }
0x81: {  	_ =	shalt  }
0x82: {  	_ =	shalt  }
0x83: {  	_ =	shalt  }
0x84: {  	_ =	shalt  }
0x85: {  	_ =	shalt  }
0x86: {  	_ =	shalt  }
0x87: {  	_ =	shalt  }
.Lfunc_end0:
.L_simem_size_0:
called_computation_lowered:
.L_overlay_start_0:
0x88: {  	s2 =	sld [smem:$0x3FD9]  }
0x89: {  	s3 =	sld [smem:$0x3FFE];
	_ =	sdelay $0x1  }
0x8a: {  	s1 =	srdreg.scid  }
0x8b: {  	s0 =	sand.u32 $0x1, s1  }
0x8c: {  	s14 =	sshll.u32 s0, $0xA;
	s2 =	sadd.s32 s3, s2  }
0x8d: {  	s2 =	sadd.s32 s2, s14  }
0x8e: {  	[smem:$0x3FC3] =	sst s2  }
0x8f: {  	_ = 	snop  }
0x90: {  	s2 =	sld [smem:$0x3FD0]  }
0x91: {  	s15 =	sld [smem:$0x3FC8]  }
0x92: {  	s4 =	sld [smem:$0x3FC6]  }
0x93: {  	s6 =	simm.s32 $0xA;
	s7 =	simm.s32 $0x10;
	s5 =	sld [smem:$0x3FC5]  }
0x94: {  	[smem:s7], [sflag:s6] =	dma.local [hbm:s2], $0x1  }
0x95: {  	_ =	swait.eq [sflag:s6], $0x1  }
0x96: {  	[sflag:s6] =	ssyncset.done $0x0  }
0x97: {  	s16 =	sld [smem:$0x10];
	[sflag:s6] =	ssyncadd.s32 $0xFFFFFFFF  }
0x98: {  	s17 =	sld [smem:$0x11];
	(tm) =	ssettm $0x1  }
0x99: {  	s18 =	sld [smem:$0x3FFB];
	_ =	sdelay $0x3  }
0x9a: {  	_ =	strace s18  }
0x9b: {  	s7 =	sld [smem:$0x3FFC];
	_ =	sdelay $0x3  }
0x9c: {  	_ =	strace s7  }
0x9d: {  	s7 =	sld [smem:$0x3FFD];
	_ =	sdelay $0x3  }
0x9e: {  	_ =	strace s7  }
0x9f: {  	_ =	strace $0x8FFFFFFF  }
0xa0: {  	s19 =	sld [smem:$0x3FDB];
	_ =	sdelay $0x1  }
0xa1: {  	s8 =	simm.s32 $_scs_section_size  }
0xa2: {  	s9 =	simm.s32 $_size__tile_overlayer_lowered;
	s10 =	simm.s32 $_tile_overlayer_lowered  }
0xa3: {  	s22 =	simm.s32 $0x1BFF;
	s21 =	sshll.u32 s10, $0x1;
	s7 =	sadd.s32 s8, s19  }
0xa4: {  	s11 =	simm.s32 $0x0;
	s20 =	sshll.u32 s9, $0x1;
	s9 =	sadd.s32 s21, s7  }
0xa5: {  	[timem:s11], [sflag:s22] =	dma.local [hbm:s9], s20  }
0xa6: {  	_ =	swait.ge [sflag:s22], s20  }
0xa7: {  	s8 =	ssub.s32 $0x0, s20;
	[sflag:s22] =	ssyncset.done $0x0  }
0xa8: {  	[sflag:s22] =	ssyncadd.s32 s8;
	_ =	sdelay $0x1  }
0xa9: {  	s23 =	simm.s32 $0x1B8B  }
0xaa: {  	_ =	swait.ge [sflag:s23], $0x1  }
0xab: {  	[sflag:s23] =	ssyncset.done $0x0  }
0xac: {  	s25 =	simm.s32 $0x1B8E;
	s24 =	sld [smem:$0x3FFE];
	[sflag:s23] =	ssyncadd.s32 $0xFFFFFFFF  }
0xad: {  	s26 =	simm.s32 $execute0_lowered;
	[smem:$0x3FD2] =	sst s25  }
0xae: {  	s9 =	sshll.u32 s26, $0x1;
	_ =	strace $0x80000046;
	[dreg:$0x1] =	wrdreg $0xFFFFFFFF  }
0xaf: {  	s28 =	simm.s32 $_size_execute0_lowered;
	s7 =	sadd.s32 s7, s9;
	[dreg:$0x0] =	wrdreg $0x0  }
0xb0: {  	s9 =	sshll.u32 s28, $0x1;
	[dreg:$0x2] =	wrdreg s7  }
0xb1: {  	[dreg:$0x3] =	wrdreg s9  }
0xb2: {  	[dreg:$0x4] =	wrdreg $0xC0  }
0xb3: {  	_ =	task [dreg:s11], $0x5FFFF  }
0xb4: {  	[dreg:$0x1] =	wrdreg $0xFFFFFFFF  }
0xb5: {  	[dreg:$0x0] =	wrdreg $0x60  }
0xb6: {  	[dreg:$0x2] =	wrdreg s17  }
0xb7: {  	[dreg:$0x3] =	wrdreg s15  }
0xb8: {  	[dreg:$0x4] =	wrdreg s16  }
0xb9: {  	[dreg:$0x5] =	wrdreg s4  }
0xba: {  	[dreg:$0x6] =	wrdreg s5  }
0xbb: {  	[dreg:$0x7] =	wrdreg s24  }
0xbc: {  	[dreg:$0x8] =	wrdreg $0x9  }
0xbd: {  	_ =	task.clear_ibuf [dreg:s11], $0x9FFFF;
	_ =	strace $0x90000046  }
0xbe: {  	s29 =	simm.s32 $0x9;
	_ =	strace $0x80000048  }
0xbf: {  	_ =	swait.ge [sflag:s29], $0x1  }
0xc0: {  	[sflag:s29] =	ssyncadd.s32 $0xFFFFFFFF  }
0xc1: {  	_ =	strace $0x90000048  }
0xc2: {  	_ =	sfence  }
0xc3: {  	s30 =	sld [smem:$0x0];
	_ =	sdelay $0x2  }
0xc4: {  	s31 =	sshll.u32 s1, $0xD;
	s1 =	sshrl.u32 s1, $0x2  }
0xc5: {  	s3 =	sand.u32 $0x4000, s31;
	s1 =	sadd.s32 s1, s30  }
0xc6: {  	s0 =	sor.u32 s3, s0;
	s1 =	sshll.u32 s1, $0x11  }
0xc7: {  	s0 =	sor.u32 s1, s0  }
0xc8: {  	s0 =	sadd.s32 $0x8F2B, s0  }
0xc9: {  	[sflag:s0] =	ssyncadd.remote.s32 $0x1  }
0xca: {  	_ =	sfence.sel $0xFFFF  }
0xcb: {  	[dreg:$0x0] =	wrdreg $0xFFFFFFFF;
	(pc) =	sbr.abs _section_cstart, $3  }
0xcc: {  	[dreg:$0x1] =	wrdreg $0xFFFFFFFF  }
0xcd: {  	_ =	task.clear_ibuf [dreg:s11], $0x2FFFF;
	_ =	strace $0x9FFFFFFF  }
0xce: {  	(tm) =	ssettm $0x7FFFFFFF  }
0xcf: {  	_ =	shalt  }
tec
execute0_lowered:
.L_overlay_start_1:
0x0: {  	(tag) =	ssettag $0x1  }
0x1: {  	s0 =	srdreg.scid;
	s2 =	stileid.u32  }
0x2: {  	s1 =	rddreg [dreg:$0x0];
	s0 =	sand.u32 $0x1, s0;
	s2 =	sshll.u32 s2, $0x1  }
0x3: {  	s4 =	rddreg [dreg:$0x2];
	s3 =	sor.u32 s0, s2;
	s0 =	ssub.s32 $0x2, s0  }
0x4: {  	s6 =	rddreg [dreg:$0x5];
	s5 =	smul.u32 $0x49800, s3;
	s7 =	sshrl.u32 s0, $0x1  }
0x5: {  	s6 =	sadd.s32 $0x400, s6;
	s2 =	simm.s32 $0x0;
	s0 =	ssub.s32 s0, s7  }
0x6: {  	[smem:$0x7FF] =	sst s2;
	s5 =	sshrl.u32 s5, $0x3;
	s31 =	smax.u32 s0, $0x1  }
0x7: {  	s0 =	simm.s32 $0x1;
	s20 =	sadd.s32 s1, s5;
	s21 =	sadd.s32 s4, s5  }
0x8: {  	s22 =	sadd.s32 s6, s5;
	s23 =	sadd.s32 $0x1260, s5;
	[dreg:$0x7] =	wrdreg s20  }
0x9: {  	s25 =	sadd.s32 $0x24C0, s5;
	s5 =	sadd.s32 $0x3720, s5;
	[dreg:$0x8] =	wrdreg s21  }
0xa: {  	[dreg:$0x9] =	wrdreg s22;
	s8 =	sadd.s32 s1, s23;
	s24 =	sadd.s32 s4, s23  }
0xb: {  	s7 =	sadd.s32 s6, s23;
	s9 =	sadd.s32 s1, s25;
	s10 =	sadd.s32 s4, s25  }
0xc: {  	s11 =	sadd.s32 s6, s25;
	[dreg:$0xa] =	wrdreg s8;
	s8 =	sshllo.u32 s3, $0x1  }
0xd: {  	s12 =	sadd.s32 s1, s5;
	[dreg:$0xb] =	wrdreg s24;
	s13 =	smul.u32 $0x24C00, s8  }
0xe: {  	s14 =	sadd.s32 s6, s5;
	s23 =	sshll.u32 s3, $0x1;
	[dreg:$0xc] =	wrdreg s7  }
0xf: {  	v1 =	vmov s23;
	s23 =	simm.s32 $0x9B80;
	s3 =	simm.s32 $0x12E80;
	s26 =	sshrl.u32 s13, $0x3  }
0x10: {  	_ =	strace $0x80000047;
	s13 =	sadd.s32 s4, s5;
	s21 =	sadd.s32 $0x1260, s26  }
0x11: {  	s15 =	sadd.s32 s1, s26;
	s19 =	sadd.s32 s4, s26;
	s20 =	sadd.s32 s6, s26  }
0x12: {  	s22 =	sadd.s32 $0x24C0, s26;
	s7 =	sadd.s32 $0x3720, s26;
	s16 =	sadd.s32 s1, s21  }
0x13: {  	s17 =	sadd.s32 s4, s21;
	s18 =	sadd.s32 s6, s21;
	s24 =	sadd.s32 s1, s22  }
0x14: {  	s25 =	sadd.s32 s4, s22;
	s26 =	sadd.s32 s6, s22;
	s28 =	sadd.s32 s1, s7  }
0x15: {  	s29 =	sadd.s32 s4, s7;
	s30 =	sadd.s32 s6, s7;
	s21 =	simm.s32 $0x800  }
0x16: {  	v0 =	vmov s8;
	v1 =	vbroadcast v1, $0x0;
	s1 =	simm.s32 $0x400;
	s22 =	simm.s32 $0x880;
	s4 =	simm.s32 $0x0  }
.LBB2_1:
0x17: {  	s5 =	rddreg [dreg:$0x1]  }
0x18: {  	[tilespmem:s21], [sflag:$0x1] =	stream.linear.gather [hbm4b:s5+s2], $0x80, $0x38;
	[tilespmem:$0x1C180] =	vst v63  }
0x19: {  	_ =	swait.ge [sflag:s0], $0x80  }
0x1a: {  	[sflag:s0] =	ssyncset.done $0x0  }
0x1b: {  	[sflag:s0] =	ssyncadd.s32 $0xFFFFFF80  }
0x1c: {  	s8 =	rddreg [dreg:$0x3]  }
0x1d: {  	[tilespmem:s2], [sflag:$0x1] =	stream.linear.gather [hbm4b:s8+s2], $0x400, $0x38;
	[tilespmem:$0x1C180] =	vst v63  }
0x1e: {  	_ =	swait.ge [sflag:s0], $0x400  }
0x1f: {  	[sflag:s0] =	ssyncset.done $0x0  }
0x20: {  	[sflag:s0] =	ssyncadd.s32 $0xFFFFFC00  }
0x21: {  	s6 =	rddreg [dreg:$0x4]  }
0x22: {  	[tilespmem:s1], [sflag:$0x1] =	stream.linear.gather [hbm4b:s6+s2], $0x400, $0x38;
	[tilespmem:$0x1C180] =	vst v63  }
0x23: {  	_ =	swait.ge [sflag:s0], $0x400  }
0x24: {  	[sflag:s0] =	ssyncset.done $0x0  }
0x25: {  	[sflag:s0] =	ssyncadd.s32 $0xFFFFFC00  }
0x26: {  	v3 =	vld.idx.msk [tilespmem:v1+s21+$0x0], $0xffff;
	_ =	sdelay $0x7  }
0x27: {  	s7 =	rddreg [dreg:$0x7];
	v2 =	vld.idx.msk [tilespmem:v3+s2+$0x0], $0xffff  }
0x28: {  	v3 =	vld.idx.msk [tilespmem:v3+s1+$0x0], $0xffff;
	[tilespmem:s22], [sflag:$0x1] =	stream.linear.gather [hbm4b:s7+s2], $0x9300, $0x38  }
0x29: {  	_ =	swait.ge [sflag:s0], $0x9300  }
0x2a: {  	[sflag:s0] =	ssyncset.done $0x0  }
0x2b: {  	s8 =	rddreg [dreg:$0x8];
	[sflag:s0] =	ssyncadd.s32 $0xFFFF6D00  }
0x2c: {  	[tilespmem:s23], [sflag:$0x1] =	stream.linear.gather [hbm4b:s8+s2], $0x9300, $0x38;
	[tilespmem:$0x1C180] =	vst v63  }
0x2d: {  	_ =	swait.ge [sflag:s0], $0x9300  }
0x2e: {  	[sflag:s0] =	ssyncset.done $0x0  }
0x2f: {  	s8 =	simm.s32 $0x8C0;
	[sflag:s0] =	ssyncadd.s32 $0xFFFF6D00  }
0x30: {  	s5 =	simm.s32 $0x9BC0;
	v4 =	vld [tilespmem:s8+$0x30]  }
0x31: {  	v5 =	vld [tilespmem:s5+$0x30]  }
0x32: {  	v7 =	vld [tilespmem:s5+$0xFFFFFFC0]  }
0x33: {  	v6 =	vld [tilespmem:s8+$0xFFFFFFD0]  }
0x34: {  	v8 =	vld [tilespmem:s5+$0xFFFFFFD0]  }
0x35: {  	v9 =	vld [tilespmem:s8+$0xFFFFFFE0]  }
0x36: {  	v10 =	vld [tilespmem:s5+$0xFFFFFFE0]  }
0x37: {  	v11 =	vld [tilespmem:s8+$0xFFFFFFF0]  }
0x38: {  	v12 =	vld [tilespmem:s5+$0xFFFFFFF0]  }
0x39: {  	v13 =	vld [tilespmem:s8+$0x0];
	v4 =	vmul.f32 v4, v2;
	v5 =	vmul.f32 v5, v3  }
0x3a: {  	v15 =	vld [tilespmem:s5+$0x0];
	v14 =	vmul.f32 v6, v2;
	v8 =	vmul.f32 v8, v3  }
0x3b: {  	v9 =	vmul.f32 v9, v2;
	v10 =	vmul.f32 v10, v3;
	v6 =	vld [tilespmem:s8+$0x10];
	v4 =	vadd.f32 v5, v4  }
0x3c: {  	s6 =	simm.s32 $0x12EC0;
	v14 =	vadd.f32 v8, v14;
	v5 =	vld [tilespmem:s5+$0x10]  }
0x3d: {  	v11 =	vmul.f32 v11, v2;
	v12 =	vmul.f32 v12, v3;
	v16 =	vadd.f32 v10, v9;
	v8 =	vld [tilespmem:s8+$0x20];
	[tilespmem:s6+$0x30] =	vst v4  }
0x3e: {  	v9 =	vld [tilespmem:s5+$0x20];
	v10 =	vmul.f32 v13, v2;
	[tilespmem:s6+$0xFFFFFFD0] =	vst v14  }
0x3f: {  	s7 =	simm.s32 $0x0;
	v11 =	vadd.f32 v12, v11;
	v12 =	vmul.f32 v15, v3;
	v4 =	vmul.f32 v7, v3;
	v7 =	vld [tilespmem:s8+$0xFFFFFFC0];
	[tilespmem:s6+$0xFFFFFFE0] =	vst v16;
	s8 =	simm.s32 $0x940  }
.LBB2_2:
0x40: {  	v13 =	vld [tilespmem:s8+$0x30];
	v6 =	vmul.f32 v6, v2;
	s5 =	sadd.s32 $0x80, s5  }
0x41: {  	s7 =	sadd.s32 $0x8, s7;
	v14 =	vld [tilespmem:s5+$0x30];
	[tilespmem:s6+$0xFFFFFFF0] =	vst v11;
	v10 =	vadd.f32 v12, v10;
	v5 =	vmul.f32 v5, v3  }
0x42: {  	p0 =	slt.u32 s7, $0x928;
	v11 =	vld [tilespmem:s5+$0xFFFFFFC0];
	v8 =	vmul.f32 v8, v2  }
0x43: {  	v12 =	vld [tilespmem:s8+$0xFFFFFFD0];
	[tilespmem:s6+$0x0] =	vst v10;
	v5 =	vadd.f32 v5, v6;
	v6 =	vmul.f32 v9, v3  }
0x44: {  	v9 =	vld [tilespmem:s5+$0xFFFFFFD0];
	v7 =	vmul.f32 v7, v2  }
0x45: {  	v10 =	vld [tilespmem:s8+$0xFFFFFFE0];
	[tilespmem:s6+$0x10] =	vst v5;
	v5 =	vadd.f32 v6, v8  }
0x46: {  	v8 =	vmul.f32 v13, v2;
	v6 =	vld [tilespmem:s5+$0xFFFFFFE0];
	v13 =	vmul.f32 v14, v3;
	v7 =	vadd.f32 v4, v7  }
0x47: {  	v4 =	vmul.f32 v11, v3;
	v11 =	vld [tilespmem:s8+$0xFFFFFFF0];
	[tilespmem:s6+$0x20] =	vst v5  }
0x48: {  	v5 =	vmul.f32 v12, v2;
	v12 =	vld [tilespmem:s5+$0xFFFFFFF0];
	v8 =	vadd.f32 v13, v8;
	[tilespmem:s6+$0xFFFFFFC0] =	vst v7  }
0x49: {  	s6 =	sadd.s32 $0x80, s6;
	v7 =	vmul.f32 v9, v3;
	v9 =	vld [tilespmem:s8+$0x0]  }
0x4a: {  	v10 =	vmul.f32 v10, v2;
	v13 =	vld [tilespmem:s5+$0x0];
	[tilespmem:s6+$0x30] =	vst v8  }
.Ltmp0:
0x4b: {  	v7 =	vadd.f32 v7, v5;
	v8 =	vmul.f32 v6, v3;
	v6 =	vld [tilespmem:s8+$0x10];
	(pc) =	sbr.rel @p0 .LBB2_2-.Ltmp0, $4  }
0x4c: {  	v11 =	vmul.f32 v11, v2;
	v5 =	vld [tilespmem:s5+$0x10]  }
0x4d: {  	[tilespmem:s6+$0xFFFFFFD0] =	vst v7;
	v14 =	vadd.f32 v8, v10;
	v12 =	vmul.f32 v12, v3;
	v8 =	vld [tilespmem:s8+$0x20]  }
0x4e: {  	v10 =	vmul.f32 v9, v2;
	v9 =	vld [tilespmem:s5+$0x20]  }
0x4f: {  	v7 =	vld [tilespmem:s8+$0xFFFFFFC0];
	[tilespmem:s6+$0xFFFFFFE0] =	vst v14;
	v11 =	vadd.f32 v12, v11;
	v12 =	vmul.f32 v13, v3;
	s8 =	sadd.s32 $0x80, s8  }
0x50: {  	_ =	sdelay $0x1  }
0x51: {  	v6 =	vmul.f32 v6, v2;
	v5 =	vmul.f32 v5, v3  }
0x52: {  	v10 =	vadd.f32 v12, v10;
	v8 =	vmul.f32 v8, v2;
	v9 =	vmul.f32 v9, v3  }
0x53: {  	[tilespmem:s6+$0xFFFFFFF0] =	vst v11;
	v5 =	vadd.f32 v5, v6;
	v6 =	vmul.f32 v7, v2  }
0x54: {  	[tilespmem:s6+$0x0] =	vst v10;
	v7 =	vadd.f32 v9, v8  }
0x55: {  	[tilespmem:s6+$0x10] =	vst v5;
	v4 =	vadd.f32 v4, v6  }
0x56: {  	[tilespmem:s6+$0x20] =	vst v7  }
0x57: {  	[tilespmem:s6+$0xFFFFFFC0] =	vst v4  }
0x58: {  	s5 =	rddreg [dreg:$0x9]  }
0x59: {  	[hbm4b:s5+s2] =	stream.linear.scatter [tilespmem:s3], [sflag:$0x1], $0x9300, $0x38;
	[tilespmem:$0x1C180] =	vst v63  }
0x5a: {  	_ =	swait.ge [sflag:s0], $0x9300  }
0x5b: {  	[sflag:s0] =	ssyncset.done $0x0  }
0x5c: {  	s7 =	rddreg [dreg:$0xa];
	[sflag:s0] =	ssyncadd.s32 $0xFFFF6D00  }
0x5d: {  	[tilespmem:s22], [sflag:$0x1] =	stream.linear.gather [hbm4b:s7+s2], $0x9300, $0x38;
	[tilespmem:$0x1C180] =	vst v63  }
0x5e: {  	_ =	swait.ge [sflag:s0], $0x9300  }
0x5f: {  	[sflag:s0] =	ssyncset.done $0x0  }
0x60: {  	s8 =	rddreg [dreg:$0xb];
	[sflag:s0] =	ssyncadd.s32 $0xFFFF6D00  }
0x61: {  	[tilespmem:s23], [sflag:$0x1] =	stream.linear.gather [hbm4b:s8+s2], $0x9300, $0x38;
	[tilespmem:$0x1C180] =	vst v63  }
0x62: {  	_ =	swait.ge [sflag:s0], $0x9300  }
0x63: {  	[sflag:s0] =	ssyncset.done $0x0  }
0x64: {  	s8 =	simm.s32 $0x8C0;
	[sflag:s0] =	ssyncadd.s32 $0xFFFF6D00  }
0x65: {  	s5 =	simm.s32 $0x9BC0;
	v4 =	vld [tilespmem:s8+$0x30]  }
0x66: {  	v5 =	vld [tilespmem:s5+$0x30]  }
0x67: {  	v7 =	vld [tilespmem:s5+$0xFFFFFFC0]  }
0x68: {  	v6 =	vld [tilespmem:s8+$0xFFFFFFD0]  }
0x69: {  	v8 =	vld [tilespmem:s5+$0xFFFFFFD0]  }
0x6a: {  	v9 =	vld [tilespmem:s8+$0xFFFFFFE0]  }
0x6b: {  	v10 =	vld [tilespmem:s5+$0xFFFFFFE0]  }
0x6c: {  	v11 =	vld [tilespmem:s8+$0xFFFFFFF0]  }
0x6d: {  	v12 =	vld [tilespmem:s5+$0xFFFFFFF0]  }
0x6e: {  	v13 =	vld [tilespmem:s8+$0x0];
	v4 =	vmul.f32 v4, v2;
	v5 =	vmul.f32 v5, v3  }
0x6f: {  	v15 =	vld [tilespmem:s5+$0x0];
	v14 =	vmul.f32 v6, v2;
	v8 =	vmul.f32 v8, v3  }
0x70: {  	v9 =	vmul.f32 v9, v2;
	v10 =	vmul.f32 v10, v3;
	v6 =	vld [tilespmem:s8+$0x10];
	v4 =	vadd.f32 v5, v4  }
0x71: {  	s6 =	simm.s32 $0x12EC0;
	v14 =	vadd.f32 v8, v14;
	v5 =	vld [tilespmem:s5+$0x10]  }
0x72: {  	v11 =	vmul.f32 v11, v2;
	v12 =	vmul.f32 v12, v3;
	v16 =	vadd.f32 v10, v9;
	v8 =	vld [tilespmem:s8+$0x20];
	[tilespmem:s6+$0x30] =	vst v4  }
0x73: {  	v9 =	vld [tilespmem:s5+$0x20];
	v10 =	vmul.f32 v13, v2;
	[tilespmem:s6+$0xFFFFFFD0] =	vst v14  }
0x74: {  	s7 =	simm.s32 $0x0;
	v11 =	vadd.f32 v12, v11;
	v12 =	vmul.f32 v15, v3;
	v4 =	vmul.f32 v7, v3;
	v7 =	vld [tilespmem:s8+$0xFFFFFFC0];
	[tilespmem:s6+$0xFFFFFFE0] =	vst v16;
	s8 =	simm.s32 $0x940  }
.LBB2_4:
0x75: {  	v13 =	vld [tilespmem:s8+$0x30];
	v6 =	vmul.f32 v6, v2;
	s5 =	sadd.s32 $0x80, s5  }
0x76: {  	s7 =	sadd.s32 $0x8, s7;
	v14 =	vld [tilespmem:s5+$0x30];
	[tilespmem:s6+$0xFFFFFFF0] =	vst v11;
	v10 =	vadd.f32 v12, v10;
	v5 =	vmul.f32 v5, v3  }
0x77: {  	p0 =	slt.u32 s7, $0x928;
	v11 =	vld [tilespmem:s5+$0xFFFFFFC0];
	v8 =	vmul.f32 v8, v2  }
0x78: {  	v12 =	vld [tilespmem:s8+$0xFFFFFFD0];
	[tilespmem:s6+$0x0] =	vst v10;
	v5 =	vadd.f32 v5, v6;
	v6 =	vmul.f32 v9, v3  }
0x79: {  	v9 =	vld [tilespmem:s5+$0xFFFFFFD0];
	v7 =	vmul.f32 v7, v2  }
0x7a: {  	v10 =	vld [tilespmem:s8+$0xFFFFFFE0];
	[tilespmem:s6+$0x10] =	vst v5;
	v5 =	vadd.f32 v6, v8  }
0x7b: {  	v8 =	vmul.f32 v13, v2;
	v6 =	vld [tilespmem:s5+$0xFFFFFFE0];
	v13 =	vmul.f32 v14, v3;
	v7 =	vadd.f32 v4, v7  }
0x7c: {  	v4 =	vmul.f32 v11, v3;
	v11 =	vld [tilespmem:s8+$0xFFFFFFF0];
	[tilespmem:s6+$0x20] =	vst v5  }
0x7d: {  	v5 =	vmul.f32 v12, v2;
	v12 =	vld [tilespmem:s5+$0xFFFFFFF0];
	v8 =	vadd.f32 v13, v8;
	[tilespmem:s6+$0xFFFFFFC0] =	vst v7  }
0x7e: {  	s6 =	sadd.s32 $0x80, s6;
	v7 =	vmul.f32 v9, v3;
	v9 =	vld [tilespmem:s8+$0x0]  }
0x7f: {  	v10 =	vmul.f32 v10, v2;
	v13 =	vld [tilespmem:s5+$0x0];
	[tilespmem:s6+$0x30] =	vst v8  }
.Ltmp1:
0x80: {  	v7 =	vadd.f32 v7, v5;
	v8 =	vmul.f32 v6, v3;
	v6 =	vld [tilespmem:s8+$0x10];
	(pc) =	sbr.rel @p0 .LBB2_4-.Ltmp1, $4  }
0x81: {  	v11 =	vmul.f32 v11, v2;
	v5 =	vld [tilespmem:s5+$0x10]  }
0x82: {  	[tilespmem:s6+$0xFFFFFFD0] =	vst v7;
	v14 =	vadd.f32 v8, v10;
	v12 =	vmul.f32 v12, v3;
	v8 =	vld [tilespmem:s8+$0x20]  }
0x83: {  	v10 =	vmul.f32 v9, v2;
	v9 =	vld [tilespmem:s5+$0x20]  }
0x84: {  	v7 =	vld [tilespmem:s8+$0xFFFFFFC0];
	[tilespmem:s6+$0xFFFFFFE0] =	vst v14;
	v11 =	vadd.f32 v12, v11;
	v12 =	vmul.f32 v13, v3;
	s8 =	sadd.s32 $0x80, s8  }
0x85: {  	_ =	sdelay $0x1  }
0x86: {  	v6 =	vmul.f32 v6, v2;
	v5 =	vmul.f32 v5, v3  }
0x87: {  	v10 =	vadd.f32 v12, v10;
	v8 =	vmul.f32 v8, v2;
	v9 =	vmul.f32 v9, v3  }
0x88: {  	[tilespmem:s6+$0xFFFFFFF0] =	vst v11;
	v5 =	vadd.f32 v5, v6;
	v6 =	vmul.f32 v7, v2  }
0x89: {  	[tilespmem:s6+$0x0] =	vst v10;
	v7 =	vadd.f32 v9, v8  }
0x8a: {  	[tilespmem:s6+$0x10] =	vst v5;
	v4 =	vadd.f32 v4, v6  }
0x8b: {  	[tilespmem:s6+$0x20] =	vst v7  }
0x8c: {  	[tilespmem:s6+$0xFFFFFFC0] =	vst v4  }
0x8d: {  	s5 =	rddreg [dreg:$0xc]  }
0x8e: {  	[hbm4b:s5+s2] =	stream.linear.scatter [tilespmem:s3], [sflag:$0x1], $0x9300, $0x38;
	[tilespmem:$0x1C180] =	vst v63  }
0x8f: {  	_ =	swait.ge [sflag:s0], $0x9300  }
0x90: {  	[sflag:s0] =	ssyncset.done $0x0  }
0x91: {  	[sflag:s0] =	ssyncadd.s32 $0xFFFF6D00  }
0x92: {  	[tilespmem:s22], [sflag:$0x1] =	stream.linear.gather [hbm4b:s9+s2], $0x9300, $0x38;
	[tilespmem:$0x1C180] =	vst v63  }
0x93: {  	_ =	swait.ge [sflag:s0], $0x9300  }
0x94: {  	[sflag:s0] =	ssyncset.done $0x0  }
0x95: {  	[sflag:s0] =	ssyncadd.s32 $0xFFFF6D00  }
0x96: {  	[tilespmem:s23], [sflag:$0x1] =	stream.linear.gather [hbm4b:s10+s2], $0x9300, $0x38;
	[tilespmem:$0x1C180] =	vst v63  }
0x97: {  	_ =	swait.ge [sflag:s0], $0x9300  }
0x98: {  	[sflag:s0] =	ssyncset.done $0x0  }
0x99: {  	s8 =	simm.s32 $0x8C0;
	[sflag:s0] =	ssyncadd.s32 $0xFFFF6D00  }
0x9a: {  	s5 =	simm.s32 $0x9BC0;
	v4 =	vld [tilespmem:s8+$0x30]  }
0x9b: {  	v5 =	vld [tilespmem:s5+$0x30]  }
0x9c: {  	v7 =	vld [tilespmem:s5+$0xFFFFFFC0]  }
0x9d: {  	v6 =	vld [tilespmem:s8+$0xFFFFFFD0]  }
0x9e: {  	v8 =	vld [tilespmem:s5+$0xFFFFFFD0]  }
0x9f: {  	v9 =	vld [tilespmem:s8+$0xFFFFFFE0]  }
0xa0: {  	v10 =	vld [tilespmem:s5+$0xFFFFFFE0]  }
0xa1: {  	v11 =	vld [tilespmem:s8+$0xFFFFFFF0]  }
0xa2: {  	v12 =	vld [tilespmem:s5+$0xFFFFFFF0]  }
0xa3: {  	v13 =	vld [tilespmem:s8+$0x0];
	v4 =	vmul.f32 v4, v2;
	v5 =	vmul.f32 v5, v3  }
0xa4: {  	v15 =	vld [tilespmem:s5+$0x0];
	v14 =	vmul.f32 v6, v2;
	v8 =	vmul.f32 v8, v3  }
0xa5: {  	v9 =	vmul.f32 v9, v2;
	v10 =	vmul.f32 v10, v3;
	v6 =	vld [tilespmem:s8+$0x10];
	v4 =	vadd.f32 v5, v4  }
0xa6: {  	s6 =	simm.s32 $0x12EC0;
	v14 =	vadd.f32 v8, v14;
	v5 =	vld [tilespmem:s5+$0x10]  }
0xa7: {  	v11 =	vmul.f32 v11, v2;
	v12 =	vmul.f32 v12, v3;
	v16 =	vadd.f32 v10, v9;
	v8 =	vld [tilespmem:s8+$0x20];
	[tilespmem:s6+$0x30] =	vst v4  }
0xa8: {  	v9 =	vld [tilespmem:s5+$0x20];
	v10 =	vmul.f32 v13, v2;
	[tilespmem:s6+$0xFFFFFFD0] =	vst v14  }
0xa9: {  	s7 =	simm.s32 $0x0;
	v11 =	vadd.f32 v12, v11;
	v12 =	vmul.f32 v15, v3;
	v4 =	vmul.f32 v7, v3;
	v7 =	vld [tilespmem:s8+$0xFFFFFFC0];
	[tilespmem:s6+$0xFFFFFFE0] =	vst v16;
	s8 =	simm.s32 $0x940  }
.LBB2_6:
0xaa: {  	v13 =	vld [tilespmem:s8+$0x30];
	v6 =	vmul.f32 v6, v2;
	s5 =	sadd.s32 $0x80, s5  }
0xab: {  	s7 =	sadd.s32 $0x8, s7;
	v14 =	vld [tilespmem:s5+$0x30];
	[tilespmem:s6+$0xFFFFFFF0] =	vst v11;
	v10 =	vadd.f32 v12, v10;
	v5 =	vmul.f32 v5, v3  }
0xac: {  	p0 =	slt.u32 s7, $0x928;
	v11 =	vld [tilespmem:s5+$0xFFFFFFC0];
	v8 =	vmul.f32 v8, v2  }
0xad: {  	v12 =	vld [tilespmem:s8+$0xFFFFFFD0];
	[tilespmem:s6+$0x0] =	vst v10;
	v5 =	vadd.f32 v5, v6;
	v6 =	vmul.f32 v9, v3  }
0xae: {  	v9 =	vld [tilespmem:s5+$0xFFFFFFD0];
	v7 =	vmul.f32 v7, v2  }
0xaf: {  	v10 =	vld [tilespmem:s8+$0xFFFFFFE0];
	[tilespmem:s6+$0x10] =	vst v5;
	v5 =	vadd.f32 v6, v8  }
0xb0: {  	v8 =	vmul.f32 v13, v2;
	v6 =	vld [tilespmem:s5+$0xFFFFFFE0];
	v13 =	vmul.f32 v14, v3;
	v7 =	vadd.f32 v4, v7  }
0xb1: {  	v4 =	vmul.f32 v11, v3;
	v11 =	vld [tilespmem:s8+$0xFFFFFFF0];
	[tilespmem:s6+$0x20] =	vst v5  }
0xb2: {  	v5 =	vmul.f32 v12, v2;
	v12 =	vld [tilespmem:s5+$0xFFFFFFF0];
	v8 =	vadd.f32 v13, v8;
	[tilespmem:s6+$0xFFFFFFC0] =	vst v7  }
0xb3: {  	s6 =	sadd.s32 $0x80, s6;
	v7 =	vmul.f32 v9, v3;
	v9 =	vld [tilespmem:s8+$0x0]  }
0xb4: {  	v10 =	vmul.f32 v10, v2;
	v13 =	vld [tilespmem:s5+$0x0];
	[tilespmem:s6+$0x30] =	vst v8  }
.Ltmp2:
0xb5: {  	v7 =	vadd.f32 v7, v5;
	v8 =	vmul.f32 v6, v3;
	v6 =	vld [tilespmem:s8+$0x10];
	(pc) =	sbr.rel @p0 .LBB2_6-.Ltmp2, $4  }
0xb6: {  	v11 =	vmul.f32 v11, v2;
	v5 =	vld [tilespmem:s5+$0x10]  }
0xb7: {  	[tilespmem:s6+$0xFFFFFFD0] =	vst v7;
	v14 =	vadd.f32 v8, v10;
	v12 =	vmul.f32 v12, v3;
	v8 =	vld [tilespmem:s8+$0x20]  }
0xb8: {  	v10 =	vmul.f32 v9, v2;
	v9 =	vld [tilespmem:s5+$0x20]  }
0xb9: {  	v7 =	vld [tilespmem:s8+$0xFFFFFFC0];
	[tilespmem:s6+$0xFFFFFFE0] =	vst v14;
	v11 =	vadd.f32 v12, v11;
	v12 =	vmul.f32 v13, v3;
	s8 =	sadd.s32 $0x80, s8  }
0xba: {  	_ =	sdelay $0x1  }
0xbb: {  	v6 =	vmul.f32 v6, v2;
	v5 =	vmul.f32 v5, v3  }
0xbc: {  	v10 =	vadd.f32 v12, v10;
	v8 =	vmul.f32 v8, v2;
	v9 =	vmul.f32 v9, v3  }
0xbd: {  	[tilespmem:s6+$0xFFFFFFF0] =	vst v11;
	v5 =	vadd.f32 v5, v6;
	v6 =	vmul.f32 v7, v2  }
0xbe: {  	[tilespmem:s6+$0x0] =	vst v10;
	v7 =	vadd.f32 v9, v8  }
0xbf: {  	[tilespmem:s6+$0x10] =	vst v5;
	v4 =	vadd.f32 v4, v6  }
0xc0: {  	[tilespmem:s6+$0x20] =	vst v7  }
0xc1: {  	[tilespmem:s6+$0xFFFFFFC0] =	vst v4  }
0xc2: {  	[hbm4b:s11+s2] =	stream.linear.scatter [tilespmem:s3], [sflag:$0x1], $0x9300, $0x38;
	[tilespmem:$0x1C180] =	vst v63  }
0xc3: {  	_ =	swait.ge [sflag:s0], $0x9300  }
0xc4: {  	[sflag:s0] =	ssyncset.done $0x0  }
0xc5: {  	[sflag:s0] =	ssyncadd.s32 $0xFFFF6D00  }
0xc6: {  	[tilespmem:s22], [sflag:$0x1] =	stream.linear.gather [hbm4b:s12+s2], $0x9300, $0x38;
	[tilespmem:$0x1C180] =	vst v63  }
0xc7: {  	_ =	swait.ge [sflag:s0], $0x9300  }
0xc8: {  	[sflag:s0] =	ssyncset.done $0x0  }
0xc9: {  	[sflag:s0] =	ssyncadd.s32 $0xFFFF6D00  }
0xca: {  	[tilespmem:s23], [sflag:$0x1] =	stream.linear.gather [hbm4b:s13+s2], $0x9300, $0x38;
	[tilespmem:$0x1C180] =	vst v63  }
0xcb: {  	_ =	swait.ge [sflag:s0], $0x9300  }
0xcc: {  	[sflag:s0] =	ssyncset.done $0x0  }
0xcd: {  	s8 =	simm.s32 $0x8C0;
	[sflag:s0] =	ssyncadd.s32 $0xFFFF6D00  }
0xce: {  	s5 =	simm.s32 $0x9BC0;
	v4 =	vld [tilespmem:s8+$0x30]  }
0xcf: {  	v5 =	vld [tilespmem:s5+$0x30]  }
0xd0: {  	v7 =	vld [tilespmem:s5+$0xFFFFFFC0]  }
0xd1: {  	v6 =	vld [tilespmem:s8+$0xFFFFFFD0]  }
0xd2: {  	v8 =	vld [tilespmem:s5+$0xFFFFFFD0]  }
0xd3: {  	v9 =	vld [tilespmem:s8+$0xFFFFFFE0]  }
0xd4: {  	v10 =	vld [tilespmem:s5+$0xFFFFFFE0]  }
0xd5: {  	v11 =	vld [tilespmem:s8+$0xFFFFFFF0]  }
0xd6: {  	v12 =	vld [tilespmem:s5+$0xFFFFFFF0]  }
0xd7: {  	v13 =	vld [tilespmem:s8+$0x0];
	v4 =	vmul.f32 v4, v2;
	v5 =	vmul.f32 v5, v3  }
0xd8: {  	v15 =	vld [tilespmem:s5+$0x0];
	v14 =	vmul.f32 v6, v2;
	v8 =	vmul.f32 v8, v3  }
0xd9: {  	v9 =	vmul.f32 v9, v2;
	v10 =	vmul.f32 v10, v3;
	v6 =	vld [tilespmem:s8+$0x10];
	v4 =	vadd.f32 v5, v4  }
0xda: {  	s6 =	simm.s32 $0x12EC0;
	v14 =	vadd.f32 v8, v14;
	v5 =	vld [tilespmem:s5+$0x10]  }
0xdb: {  	v11 =	vmul.f32 v11, v2;
	v12 =	vmul.f32 v12, v3;
	v16 =	vadd.f32 v10, v9;
	v8 =	vld [tilespmem:s8+$0x20];
	[tilespmem:s6+$0x30] =	vst v4  }
0xdc: {  	v9 =	vld [tilespmem:s5+$0x20];
	v10 =	vmul.f32 v13, v2;
	[tilespmem:s6+$0xFFFFFFD0] =	vst v14  }
0xdd: {  	s7 =	simm.s32 $0x0;
	v11 =	vadd.f32 v12, v11;
	v12 =	vmul.f32 v15, v3;
	v4 =	vmul.f32 v7, v3;
	v7 =	vld [tilespmem:s8+$0xFFFFFFC0];
	[tilespmem:s6+$0xFFFFFFE0] =	vst v16;
	s8 =	simm.s32 $0x940  }
.LBB2_8:
0xde: {  	v13 =	vld [tilespmem:s8+$0x30];
	v6 =	vmul.f32 v6, v2;
	s5 =	sadd.s32 $0x80, s5  }
0xdf: {  	s7 =	sadd.s32 $0x8, s7;
	v14 =	vld [tilespmem:s5+$0x30];
	[tilespmem:s6+$0xFFFFFFF0] =	vst v11;
	v10 =	vadd.f32 v12, v10;
	v5 =	vmul.f32 v5, v3  }
0xe0: {  	p0 =	slt.u32 s7, $0x928;
	v11 =	vld [tilespmem:s5+$0xFFFFFFC0];
	v8 =	vmul.f32 v8, v2  }
0xe1: {  	v12 =	vld [tilespmem:s8+$0xFFFFFFD0];
	[tilespmem:s6+$0x0] =	vst v10;
	v5 =	vadd.f32 v5, v6;
	v6 =	vmul.f32 v9, v3  }
0xe2: {  	v9 =	vld [tilespmem:s5+$0xFFFFFFD0];
	v7 =	vmul.f32 v7, v2  }
0xe3: {  	v10 =	vld [tilespmem:s8+$0xFFFFFFE0];
	[tilespmem:s6+$0x10] =	vst v5;
	v5 =	vadd.f32 v6, v8  }
0xe4: {  	v8 =	vmul.f32 v13, v2;
	v6 =	vld [tilespmem:s5+$0xFFFFFFE0];
	v13 =	vmul.f32 v14, v3;
	v7 =	vadd.f32 v4, v7  }
0xe5: {  	v4 =	vmul.f32 v11, v3;
	v11 =	vld [tilespmem:s8+$0xFFFFFFF0];
	[tilespmem:s6+$0x20] =	vst v5  }
0xe6: {  	v5 =	vmul.f32 v12, v2;
	v12 =	vld [tilespmem:s5+$0xFFFFFFF0];
	v8 =	vadd.f32 v13, v8;
	[tilespmem:s6+$0xFFFFFFC0] =	vst v7  }
0xe7: {  	s6 =	sadd.s32 $0x80, s6;
	v7 =	vmul.f32 v9, v3;
	v9 =	vld [tilespmem:s8+$0x0]  }
0xe8: {  	v10 =	vmul.f32 v10, v2;
	v13 =	vld [tilespmem:s5+$0x0];
	[tilespmem:s6+$0x30] =	vst v8  }
.Ltmp3:
0xe9: {  	v7 =	vadd.f32 v7, v5;
	v8 =	vmul.f32 v6, v3;
	v6 =	vld [tilespmem:s8+$0x10];
	(pc) =	sbr.rel @p0 .LBB2_8-.Ltmp3, $4  }
0xea: {  	v11 =	vmul.f32 v11, v2;
	v5 =	vld [tilespmem:s5+$0x10]  }
0xeb: {  	[tilespmem:s6+$0xFFFFFFD0] =	vst v7;
	v14 =	vadd.f32 v8, v10;
	v12 =	vmul.f32 v12, v3;
	v8 =	vld [tilespmem:s8+$0x20]  }
0xec: {  	v10 =	vmul.f32 v9, v2;
	v9 =	vld [tilespmem:s5+$0x20]  }
0xed: {  	v7 =	vld [tilespmem:s8+$0xFFFFFFC0];
	[tilespmem:s6+$0xFFFFFFE0] =	vst v14;
	v11 =	vadd.f32 v12, v11;
	v12 =	vmul.f32 v13, v3;
	s8 =	sadd.s32 $0x80, s8  }
0xee: {  	_ =	sdelay $0x1  }
0xef: {  	v6 =	vmul.f32 v6, v2;
	v5 =	vmul.f32 v5, v3  }
0xf0: {  	v10 =	vadd.f32 v12, v10;
	v8 =	vmul.f32 v8, v2;
	v3 =	vmul.f32 v9, v3  }
0xf1: {  	[tilespmem:s6+$0xFFFFFFF0] =	vst v11;
	v5 =	vadd.f32 v5, v6;
	v2 =	vmul.f32 v7, v2  }
0xf2: {  	[tilespmem:s6+$0x0] =	vst v10;
	v3 =	vadd.f32 v3, v8  }
0xf3: {  	[tilespmem:s6+$0x10] =	vst v5;
	v2 =	vadd.f32 v4, v2  }
0xf4: {  	[tilespmem:s6+$0x20] =	vst v3  }
0xf5: {  	[tilespmem:s6+$0xFFFFFFC0] =	vst v2  }
0xf6: {  	[hbm4b:s14+s2] =	stream.linear.scatter [tilespmem:s3], [sflag:$0x1], $0x9300, $0x38;
	[tilespmem:$0x1C180] =	vst v63  }
0xf7: {  	_ =	swait.ge [sflag:s0], $0x9300  }
0xf8: {  	[sflag:s0] =	ssyncset.done $0x0  }
0xf9: {  	[sflag:s0] =	ssyncadd.s32 $0xFFFF6D00  }
0xfa: {  	v3 =	vld.idx.msk [tilespmem:v0+s21+$0x0], $0xffff;
	_ =	sdelay $0x7  }
0xfb: {  	v2 =	vld.idx.msk [tilespmem:v3+s2+$0x0], $0xffff  }
0xfc: {  	v3 =	vld.idx.msk [tilespmem:v3+s1+$0x0], $0xffff;
	[tilespmem:s22], [sflag:$0x1] =	stream.linear.gather [hbm4b:s15+s2], $0x9300, $0x38  }
0xfd: {  	_ =	swait.ge [sflag:s0], $0x9300  }
0xfe: {  	[sflag:s0] =	ssyncset.done $0x0  }
0xff: {  	[sflag:s0] =	ssyncadd.s32 $0xFFFF6D00  }
0x100: {  	[tilespmem:s23], [sflag:$0x1] =	stream.linear.gather [hbm4b:s19+s2], $0x9300, $0x38;
	[tilespmem:$0x1C180] =	vst v63  }
0x101: {  	_ =	swait.ge [sflag:s0], $0x9300  }
0x102: {  	[sflag:s0] =	ssyncset.done $0x0  }
0x103: {  	s8 =	simm.s32 $0x8C0;
	[sflag:s0] =	ssyncadd.s32 $0xFFFF6D00  }
0x104: {  	s5 =	simm.s32 $0x9BC0;
	v4 =	vld [tilespmem:s8+$0x30]  }
0x105: {  	v5 =	vld [tilespmem:s5+$0x30]  }
0x106: {  	v7 =	vld [tilespmem:s5+$0xFFFFFFC0]  }
0x107: {  	v6 =	vld [tilespmem:s8+$0xFFFFFFD0]  }
0x108: {  	v8 =	vld [tilespmem:s5+$0xFFFFFFD0]  }
0x109: {  	v9 =	vld [tilespmem:s8+$0xFFFFFFE0]  }
0x10a: {  	v10 =	vld [tilespmem:s5+$0xFFFFFFE0]  }
0x10b: {  	v11 =	vld [tilespmem:s8+$0xFFFFFFF0]  }
0x10c: {  	v12 =	vld [tilespmem:s5+$0xFFFFFFF0]  }
0x10d: {  	v13 =	vld [tilespmem:s8+$0x0];
	v4 =	vmul.f32 v4, v2;
	v5 =	vmul.f32 v5, v3  }
0x10e: {  	v15 =	vld [tilespmem:s5+$0x0];
	v14 =	vmul.f32 v6, v2;
	v8 =	vmul.f32 v8, v3  }
0x10f: {  	v9 =	vmul.f32 v9, v2;
	v10 =	vmul.f32 v10, v3;
	v6 =	vld [tilespmem:s8+$0x10];
	v4 =	vadd.f32 v5, v4  }
0x110: {  	s6 =	simm.s32 $0x12EC0;
	v14 =	vadd.f32 v8, v14;
	v5 =	vld [tilespmem:s5+$0x10]  }
0x111: {  	v11 =	vmul.f32 v11, v2;
	v12 =	vmul.f32 v12, v3;
	v16 =	vadd.f32 v10, v9;
	v8 =	vld [tilespmem:s8+$0x20];
	[tilespmem:s6+$0x30] =	vst v4  }
0x112: {  	v9 =	vld [tilespmem:s5+$0x20];
	v10 =	vmul.f32 v13, v2;
	[tilespmem:s6+$0xFFFFFFD0] =	vst v14  }
0x113: {  	s7 =	simm.s32 $0x0;
	v11 =	vadd.f32 v12, v11;
	v12 =	vmul.f32 v15, v3;
	v4 =	vmul.f32 v7, v3;
	v7 =	vld [tilespmem:s8+$0xFFFFFFC0];
	[tilespmem:s6+$0xFFFFFFE0] =	vst v16;
	s8 =	simm.s32 $0x940  }
.LBB2_10:
0x114: {  	v13 =	vld [tilespmem:s8+$0x30];
	v6 =	vmul.f32 v6, v2;
	s5 =	sadd.s32 $0x80, s5  }
0x115: {  	s7 =	sadd.s32 $0x8, s7;
	v14 =	vld [tilespmem:s5+$0x30];
	[tilespmem:s6+$0xFFFFFFF0] =	vst v11;
	v10 =	vadd.f32 v12, v10;
	v5 =	vmul.f32 v5, v3  }
0x116: {  	p0 =	slt.u32 s7, $0x928;
	v11 =	vld [tilespmem:s5+$0xFFFFFFC0];
	v8 =	vmul.f32 v8, v2  }
0x117: {  	v12 =	vld [tilespmem:s8+$0xFFFFFFD0];
	[tilespmem:s6+$0x0] =	vst v10;
	v5 =	vadd.f32 v5, v6;
	v6 =	vmul.f32 v9, v3  }
0x118: {  	v9 =	vld [tilespmem:s5+$0xFFFFFFD0];
	v7 =	vmul.f32 v7, v2  }
0x119: {  	v10 =	vld [tilespmem:s8+$0xFFFFFFE0];
	[tilespmem:s6+$0x10] =	vst v5;
	v5 =	vadd.f32 v6, v8  }
0x11a: {  	v8 =	vmul.f32 v13, v2;
	v6 =	vld [tilespmem:s5+$0xFFFFFFE0];
	v13 =	vmul.f32 v14, v3;
	v7 =	vadd.f32 v4, v7  }
0x11b: {  	v4 =	vmul.f32 v11, v3;
	v11 =	vld [tilespmem:s8+$0xFFFFFFF0];
	[tilespmem:s6+$0x20] =	vst v5  }
0x11c: {  	v5 =	vmul.f32 v12, v2;
	v12 =	vld [tilespmem:s5+$0xFFFFFFF0];
	v8 =	vadd.f32 v13, v8;
	[tilespmem:s6+$0xFFFFFFC0] =	vst v7  }
0x11d: {  	s6 =	sadd.s32 $0x80, s6;
	v7 =	vmul.f32 v9, v3;
	v9 =	vld [tilespmem:s8+$0x0]  }
0x11e: {  	v10 =	vmul.f32 v10, v2;
	v13 =	vld [tilespmem:s5+$0x0];
	[tilespmem:s6+$0x30] =	vst v8  }
.Ltmp4:
0x11f: {  	v7 =	vadd.f32 v7, v5;
	v8 =	vmul.f32 v6, v3;
	v6 =	vld [tilespmem:s8+$0x10];
	(pc) =	sbr.rel @p0 .LBB2_10-.Ltmp4, $4  }
0x120: {  	v11 =	vmul.f32 v11, v2;
	v5 =	vld [tilespmem:s5+$0x10]  }
0x121: {  	[tilespmem:s6+$0xFFFFFFD0] =	vst v7;
	v14 =	vadd.f32 v8, v10;
	v12 =	vmul.f32 v12, v3;
	v8 =	vld [tilespmem:s8+$0x20]  }
0x122: {  	v10 =	vmul.f32 v9, v2;
	v9 =	vld [tilespmem:s5+$0x20]  }
0x123: {  	v7 =	vld [tilespmem:s8+$0xFFFFFFC0];
	[tilespmem:s6+$0xFFFFFFE0] =	vst v14;
	v11 =	vadd.f32 v12, v11;
	v12 =	vmul.f32 v13, v3;
	s8 =	sadd.s32 $0x80, s8  }
0x124: {  	_ =	sdelay $0x1  }
0x125: {  	v6 =	vmul.f32 v6, v2;
	v5 =	vmul.f32 v5, v3  }
0x126: {  	v10 =	vadd.f32 v12, v10;
	v8 =	vmul.f32 v8, v2;
	v9 =	vmul.f32 v9, v3  }
0x127: {  	[tilespmem:s6+$0xFFFFFFF0] =	vst v11;
	v5 =	vadd.f32 v5, v6;
	v6 =	vmul.f32 v7, v2  }
0x128: {  	[tilespmem:s6+$0x0] =	vst v10;
	v7 =	vadd.f32 v9, v8  }
0x129: {  	[tilespmem:s6+$0x10] =	vst v5;
	v4 =	vadd.f32 v4, v6  }
0x12a: {  	[tilespmem:s6+$0x20] =	vst v7  }
0x12b: {  	[tilespmem:s6+$0xFFFFFFC0] =	vst v4  }
0x12c: {  	[hbm4b:s20+s2] =	stream.linear.scatter [tilespmem:s3], [sflag:$0x1], $0x9300, $0x38;
	[tilespmem:$0x1C180] =	vst v63  }
0x12d: {  	_ =	swait.ge [sflag:s0], $0x9300  }
0x12e: {  	[sflag:s0] =	ssyncset.done $0x0  }
0x12f: {  	[sflag:s0] =	ssyncadd.s32 $0xFFFF6D00  }
0x130: {  	[tilespmem:s22], [sflag:$0x1] =	stream.linear.gather [hbm4b:s16+s2], $0x9300, $0x38;
	[tilespmem:$0x1C180] =	vst v63  }
0x131: {  	_ =	swait.ge [sflag:s0], $0x9300  }
0x132: {  	[sflag:s0] =	ssyncset.done $0x0  }
0x133: {  	[sflag:s0] =	ssyncadd.s32 $0xFFFF6D00  }
0x134: {  	[tilespmem:s23], [sflag:$0x1] =	stream.linear.gather [hbm4b:s17+s2], $0x9300, $0x38;
	[tilespmem:$0x1C180] =	vst v63  }
0x135: {  	_ =	swait.ge [sflag:s0], $0x9300  }
0x136: {  	[sflag:s0] =	ssyncset.done $0x0  }
0x137: {  	s8 =	simm.s32 $0x8C0;
	[sflag:s0] =	ssyncadd.s32 $0xFFFF6D00  }
0x138: {  	s5 =	simm.s32 $0x9BC0;
	v4 =	vld [tilespmem:s8+$0x30]  }
0x139: {  	v5 =	vld [tilespmem:s5+$0x30]  }
0x13a: {  	v7 =	vld [tilespmem:s5+$0xFFFFFFC0]  }
0x13b: {  	v6 =	vld [tilespmem:s8+$0xFFFFFFD0]  }
0x13c: {  	v8 =	vld [tilespmem:s5+$0xFFFFFFD0]  }
0x13d: {  	v9 =	vld [tilespmem:s8+$0xFFFFFFE0]  }
0x13e: {  	v10 =	vld [tilespmem:s5+$0xFFFFFFE0]  }
0x13f: {  	v11 =	vld [tilespmem:s8+$0xFFFFFFF0]  }
0x140: {  	v12 =	vld [tilespmem:s5+$0xFFFFFFF0]  }
0x141: {  	v13 =	vld [tilespmem:s8+$0x0];
	v4 =	vmul.f32 v4, v2;
	v5 =	vmul.f32 v5, v3  }
0x142: {  	v15 =	vld [tilespmem:s5+$0x0];
	v14 =	vmul.f32 v6, v2;
	v8 =	vmul.f32 v8, v3  }
0x143: {  	v9 =	vmul.f32 v9, v2;
	v10 =	vmul.f32 v10, v3;
	v6 =	vld [tilespmem:s8+$0x10];
	v4 =	vadd.f32 v5, v4  }
0x144: {  	s6 =	simm.s32 $0x12EC0;
	v14 =	vadd.f32 v8, v14;
	v5 =	vld [tilespmem:s5+$0x10]  }
0x145: {  	v11 =	vmul.f32 v11, v2;
	v12 =	vmul.f32 v12, v3;
	v16 =	vadd.f32 v10, v9;
	v8 =	vld [tilespmem:s8+$0x20];
	[tilespmem:s6+$0x30] =	vst v4  }
0x146: {  	v9 =	vld [tilespmem:s5+$0x20];
	v10 =	vmul.f32 v13, v2;
	[tilespmem:s6+$0xFFFFFFD0] =	vst v14  }
0x147: {  	s7 =	simm.s32 $0x0;
	v11 =	vadd.f32 v12, v11;
	v12 =	vmul.f32 v15, v3;
	v4 =	vmul.f32 v7, v3;
	v7 =	vld [tilespmem:s8+$0xFFFFFFC0];
	[tilespmem:s6+$0xFFFFFFE0] =	vst v16;
	s8 =	simm.s32 $0x940  }
.LBB2_12:
0x148: {  	v13 =	vld [tilespmem:s8+$0x30];
	v6 =	vmul.f32 v6, v2;
	s5 =	sadd.s32 $0x80, s5  }
0x149: {  	s7 =	sadd.s32 $0x8, s7;
	v14 =	vld [tilespmem:s5+$0x30];
	[tilespmem:s6+$0xFFFFFFF0] =	vst v11;
	v10 =	vadd.f32 v12, v10;
	v5 =	vmul.f32 v5, v3  }
0x14a: {  	p0 =	slt.u32 s7, $0x928;
	v11 =	vld [tilespmem:s5+$0xFFFFFFC0];
	v8 =	vmul.f32 v8, v2  }
0x14b: {  	v12 =	vld [tilespmem:s8+$0xFFFFFFD0];
	[tilespmem:s6+$0x0] =	vst v10;
	v5 =	vadd.f32 v5, v6;
	v6 =	vmul.f32 v9, v3  }
0x14c: {  	v9 =	vld [tilespmem:s5+$0xFFFFFFD0];
	v7 =	vmul.f32 v7, v2  }
0x14d: {  	v10 =	vld [tilespmem:s8+$0xFFFFFFE0];
	[tilespmem:s6+$0x10] =	vst v5;
	v5 =	vadd.f32 v6, v8  }
0x14e: {  	v8 =	vmul.f32 v13, v2;
	v6 =	vld [tilespmem:s5+$0xFFFFFFE0];
	v13 =	vmul.f32 v14, v3;
	v7 =	vadd.f32 v4, v7  }
0x14f: {  	v4 =	vmul.f32 v11, v3;
	v11 =	vld [tilespmem:s8+$0xFFFFFFF0];
	[tilespmem:s6+$0x20] =	vst v5  }
0x150: {  	v5 =	vmul.f32 v12, v2;
	v12 =	vld [tilespmem:s5+$0xFFFFFFF0];
	v8 =	vadd.f32 v13, v8;
	[tilespmem:s6+$0xFFFFFFC0] =	vst v7  }
0x151: {  	s6 =	sadd.s32 $0x80, s6;
	v7 =	vmul.f32 v9, v3;
	v9 =	vld [tilespmem:s8+$0x0]  }
0x152: {  	v10 =	vmul.f32 v10, v2;
	v13 =	vld [tilespmem:s5+$0x0];
	[tilespmem:s6+$0x30] =	vst v8  }
.Ltmp5:
0x153: {  	v7 =	vadd.f32 v7, v5;
	v8 =	vmul.f32 v6, v3;
	v6 =	vld [tilespmem:s8+$0x10];
	(pc) =	sbr.rel @p0 .LBB2_12-.Ltmp5, $4  }
0x154: {  	v11 =	vmul.f32 v11, v2;
	v5 =	vld [tilespmem:s5+$0x10]  }
0x155: {  	[tilespmem:s6+$0xFFFFFFD0] =	vst v7;
	v14 =	vadd.f32 v8, v10;
	v12 =	vmul.f32 v12, v3;
	v8 =	vld [tilespmem:s8+$0x20]  }
0x156: {  	v10 =	vmul.f32 v9, v2;
	v9 =	vld [tilespmem:s5+$0x20]  }
0x157: {  	v7 =	vld [tilespmem:s8+$0xFFFFFFC0];
	[tilespmem:s6+$0xFFFFFFE0] =	vst v14;
	v11 =	vadd.f32 v12, v11;
	v12 =	vmul.f32 v13, v3;
	s8 =	sadd.s32 $0x80, s8  }
0x158: {  	_ =	sdelay $0x1  }
0x159: {  	v6 =	vmul.f32 v6, v2;
	v5 =	vmul.f32 v5, v3  }
0x15a: {  	v10 =	vadd.f32 v12, v10;
	v8 =	vmul.f32 v8, v2;
	v9 =	vmul.f32 v9, v3  }
0x15b: {  	[tilespmem:s6+$0xFFFFFFF0] =	vst v11;
	v5 =	vadd.f32 v5, v6;
	v6 =	vmul.f32 v7, v2  }
0x15c: {  	[tilespmem:s6+$0x0] =	vst v10;
	v7 =	vadd.f32 v9, v8  }
0x15d: {  	[tilespmem:s6+$0x10] =	vst v5;
	v4 =	vadd.f32 v4, v6  }
0x15e: {  	[tilespmem:s6+$0x20] =	vst v7  }
0x15f: {  	[tilespmem:s6+$0xFFFFFFC0] =	vst v4  }
0x160: {  	[hbm4b:s18+s2] =	stream.linear.scatter [tilespmem:s3], [sflag:$0x1], $0x9300, $0x38;
	[tilespmem:$0x1C180] =	vst v63  }
0x161: {  	_ =	swait.ge [sflag:s0], $0x9300  }
0x162: {  	[sflag:s0] =	ssyncset.done $0x0  }
0x163: {  	[sflag:s0] =	ssyncadd.s32 $0xFFFF6D00  }
0x164: {  	[tilespmem:s22], [sflag:$0x1] =	stream.linear.gather [hbm4b:s24+s2], $0x9300, $0x38;
	[tilespmem:$0x1C180] =	vst v63  }
0x165: {  	_ =	swait.ge [sflag:s0], $0x9300  }
0x166: {  	[sflag:s0] =	ssyncset.done $0x0  }
0x167: {  	[sflag:s0] =	ssyncadd.s32 $0xFFFF6D00  }
0x168: {  	[tilespmem:s23], [sflag:$0x1] =	stream.linear.gather [hbm4b:s25+s2], $0x9300, $0x38;
	[tilespmem:$0x1C180] =	vst v63  }
0x169: {  	_ =	swait.ge [sflag:s0], $0x9300  }
0x16a: {  	[sflag:s0] =	ssyncset.done $0x0  }
0x16b: {  	s8 =	simm.s32 $0x8C0;
	[sflag:s0] =	ssyncadd.s32 $0xFFFF6D00  }
0x16c: {  	s5 =	simm.s32 $0x9BC0;
	v4 =	vld [tilespmem:s8+$0x30]  }
0x16d: {  	v5 =	vld [tilespmem:s5+$0x30]  }
0x16e: {  	v7 =	vld [tilespmem:s5+$0xFFFFFFC0]  }
0x16f: {  	v6 =	vld [tilespmem:s8+$0xFFFFFFD0]  }
0x170: {  	v8 =	vld [tilespmem:s5+$0xFFFFFFD0]  }
0x171: {  	v9 =	vld [tilespmem:s8+$0xFFFFFFE0]  }
0x172: {  	v10 =	vld [tilespmem:s5+$0xFFFFFFE0]  }
0x173: {  	v11 =	vld [tilespmem:s8+$0xFFFFFFF0]  }
0x174: {  	v12 =	vld [tilespmem:s5+$0xFFFFFFF0]  }
0x175: {  	v13 =	vld [tilespmem:s8+$0x0];
	v4 =	vmul.f32 v4, v2;
	v5 =	vmul.f32 v5, v3  }
0x176: {  	v15 =	vld [tilespmem:s5+$0x0];
	v14 =	vmul.f32 v6, v2;
	v8 =	vmul.f32 v8, v3  }
0x177: {  	v9 =	vmul.f32 v9, v2;
	v10 =	vmul.f32 v10, v3;
	v6 =	vld [tilespmem:s8+$0x10];
	v4 =	vadd.f32 v5, v4  }
0x178: {  	s6 =	simm.s32 $0x12EC0;
	v14 =	vadd.f32 v8, v14;
	v5 =	vld [tilespmem:s5+$0x10]  }
0x179: {  	v11 =	vmul.f32 v11, v2;
	v12 =	vmul.f32 v12, v3;
	v16 =	vadd.f32 v10, v9;
	v8 =	vld [tilespmem:s8+$0x20];
	[tilespmem:s6+$0x30] =	vst v4  }
0x17a: {  	v9 =	vld [tilespmem:s5+$0x20];
	v10 =	vmul.f32 v13, v2;
	[tilespmem:s6+$0xFFFFFFD0] =	vst v14  }
0x17b: {  	s7 =	simm.s32 $0x0;
	v11 =	vadd.f32 v12, v11;
	v12 =	vmul.f32 v15, v3;
	v4 =	vmul.f32 v7, v3;
	v7 =	vld [tilespmem:s8+$0xFFFFFFC0];
	[tilespmem:s6+$0xFFFFFFE0] =	vst v16;
	s8 =	simm.s32 $0x940  }
.LBB2_14:
0x17c: {  	v13 =	vld [tilespmem:s8+$0x30];
	v6 =	vmul.f32 v6, v2;
	s5 =	sadd.s32 $0x80, s5  }
0x17d: {  	s7 =	sadd.s32 $0x8, s7;
	v14 =	vld [tilespmem:s5+$0x30];
	[tilespmem:s6+$0xFFFFFFF0] =	vst v11;
	v10 =	vadd.f32 v12, v10;
	v5 =	vmul.f32 v5, v3  }
0x17e: {  	p0 =	slt.u32 s7, $0x928;
	v11 =	vld [tilespmem:s5+$0xFFFFFFC0];
	v8 =	vmul.f32 v8, v2  }
0x17f: {  	v12 =	vld [tilespmem:s8+$0xFFFFFFD0];
	[tilespmem:s6+$0x0] =	vst v10;
	v5 =	vadd.f32 v5, v6;
	v6 =	vmul.f32 v9, v3  }
0x180: {  	v9 =	vld [tilespmem:s5+$0xFFFFFFD0];
	v7 =	vmul.f32 v7, v2  }
0x181: {  	v10 =	vld [tilespmem:s8+$0xFFFFFFE0];
	[tilespmem:s6+$0x10] =	vst v5;
	v5 =	vadd.f32 v6, v8  }
0x182: {  	v8 =	vmul.f32 v13, v2;
	v6 =	vld [tilespmem:s5+$0xFFFFFFE0];
	v13 =	vmul.f32 v14, v3;
	v7 =	vadd.f32 v4, v7  }
0x183: {  	v4 =	vmul.f32 v11, v3;
	v11 =	vld [tilespmem:s8+$0xFFFFFFF0];
	[tilespmem:s6+$0x20] =	vst v5  }
0x184: {  	v5 =	vmul.f32 v12, v2;
	v12 =	vld [tilespmem:s5+$0xFFFFFFF0];
	v8 =	vadd.f32 v13, v8;
	[tilespmem:s6+$0xFFFFFFC0] =	vst v7  }
0x185: {  	s6 =	sadd.s32 $0x80, s6;
	v7 =	vmul.f32 v9, v3;
	v9 =	vld [tilespmem:s8+$0x0]  }
0x186: {  	v10 =	vmul.f32 v10, v2;
	v13 =	vld [tilespmem:s5+$0x0];
	[tilespmem:s6+$0x30] =	vst v8  }
.Ltmp6:
0x187: {  	v7 =	vadd.f32 v7, v5;
	v8 =	vmul.f32 v6, v3;
	v6 =	vld [tilespmem:s8+$0x10];
	(pc) =	sbr.rel @p0 .LBB2_14-.Ltmp6, $4  }
0x188: {  	v11 =	vmul.f32 v11, v2;
	v5 =	vld [tilespmem:s5+$0x10]  }
0x189: {  	[tilespmem:s6+$0xFFFFFFD0] =	vst v7;
	v14 =	vadd.f32 v8, v10;
	v12 =	vmul.f32 v12, v3;
	v8 =	vld [tilespmem:s8+$0x20]  }
0x18a: {  	v10 =	vmul.f32 v9, v2;
	v9 =	vld [tilespmem:s5+$0x20]  }
0x18b: {  	v7 =	vld [tilespmem:s8+$0xFFFFFFC0];
	[tilespmem:s6+$0xFFFFFFE0] =	vst v14;
	v11 =	vadd.f32 v12, v11;
	v12 =	vmul.f32 v13, v3;
	s8 =	sadd.s32 $0x80, s8  }
0x18c: {  	_ =	sdelay $0x1  }
0x18d: {  	v6 =	vmul.f32 v6, v2;
	v5 =	vmul.f32 v5, v3  }
0x18e: {  	v10 =	vadd.f32 v12, v10;
	v8 =	vmul.f32 v8, v2;
	v9 =	vmul.f32 v9, v3  }
0x18f: {  	[tilespmem:s6+$0xFFFFFFF0] =	vst v11;
	v5 =	vadd.f32 v5, v6;
	v6 =	vmul.f32 v7, v2  }
0x190: {  	[tilespmem:s6+$0x0] =	vst v10;
	v7 =	vadd.f32 v9, v8  }
0x191: {  	[tilespmem:s6+$0x10] =	vst v5;
	v4 =	vadd.f32 v4, v6  }
0x192: {  	[tilespmem:s6+$0x20] =	vst v7  }
0x193: {  	[tilespmem:s6+$0xFFFFFFC0] =	vst v4  }
0x194: {  	[hbm4b:s26+s2] =	stream.linear.scatter [tilespmem:s3], [sflag:$0x1], $0x9300, $0x38;
	[tilespmem:$0x1C180] =	vst v63  }
0x195: {  	_ =	swait.ge [sflag:s0], $0x9300  }
0x196: {  	[sflag:s0] =	ssyncset.done $0x0  }
0x197: {  	[sflag:s0] =	ssyncadd.s32 $0xFFFF6D00  }
0x198: {  	[tilespmem:s22], [sflag:$0x1] =	stream.linear.gather [hbm4b:s28+s2], $0x9300, $0x38;
	[tilespmem:$0x1C180] =	vst v63  }
0x199: {  	_ =	swait.ge [sflag:s0], $0x9300  }
0x19a: {  	[sflag:s0] =	ssyncset.done $0x0  }
0x19b: {  	[sflag:s0] =	ssyncadd.s32 $0xFFFF6D00  }
0x19c: {  	[tilespmem:s23], [sflag:$0x1] =	stream.linear.gather [hbm4b:s29+s2], $0x9300, $0x38;
	[tilespmem:$0x1C180] =	vst v63  }
0x19d: {  	_ =	swait.ge [sflag:s0], $0x9300  }
0x19e: {  	[sflag:s0] =	ssyncset.done $0x0  }
0x19f: {  	s8 =	simm.s32 $0x8C0;
	[sflag:s0] =	ssyncadd.s32 $0xFFFF6D00  }
0x1a0: {  	s5 =	simm.s32 $0x9BC0;
	v4 =	vld [tilespmem:s8+$0x30]  }
0x1a1: {  	v5 =	vld [tilespmem:s5+$0x30]  }
0x1a2: {  	v7 =	vld [tilespmem:s5+$0xFFFFFFC0]  }
0x1a3: {  	v6 =	vld [tilespmem:s8+$0xFFFFFFD0]  }
0x1a4: {  	v8 =	vld [tilespmem:s5+$0xFFFFFFD0]  }
0x1a5: {  	v9 =	vld [tilespmem:s8+$0xFFFFFFE0]  }
0x1a6: {  	v10 =	vld [tilespmem:s5+$0xFFFFFFE0]  }
0x1a7: {  	v11 =	vld [tilespmem:s8+$0xFFFFFFF0]  }
0x1a8: {  	v12 =	vld [tilespmem:s5+$0xFFFFFFF0]  }
0x1a9: {  	v13 =	vld [tilespmem:s8+$0x0];
	v4 =	vmul.f32 v4, v2;
	v5 =	vmul.f32 v5, v3  }
0x1aa: {  	v15 =	vld [tilespmem:s5+$0x0];
	v14 =	vmul.f32 v6, v2;
	v8 =	vmul.f32 v8, v3  }
0x1ab: {  	v9 =	vmul.f32 v9, v2;
	v10 =	vmul.f32 v10, v3;
	v6 =	vld [tilespmem:s8+$0x10];
	v4 =	vadd.f32 v5, v4  }
0x1ac: {  	s6 =	simm.s32 $0x12EC0;
	v14 =	vadd.f32 v8, v14;
	v5 =	vld [tilespmem:s5+$0x10]  }
0x1ad: {  	v11 =	vmul.f32 v11, v2;
	v12 =	vmul.f32 v12, v3;
	v16 =	vadd.f32 v10, v9;
	v8 =	vld [tilespmem:s8+$0x20];
	[tilespmem:s6+$0x30] =	vst v4  }
0x1ae: {  	v9 =	vld [tilespmem:s5+$0x20];
	v10 =	vmul.f32 v13, v2;
	[tilespmem:s6+$0xFFFFFFD0] =	vst v14  }
0x1af: {  	s7 =	simm.s32 $0x0;
	v11 =	vadd.f32 v12, v11;
	v12 =	vmul.f32 v15, v3;
	v4 =	vmul.f32 v7, v3;
	v7 =	vld [tilespmem:s8+$0xFFFFFFC0];
	[tilespmem:s6+$0xFFFFFFE0] =	vst v16;
	s8 =	simm.s32 $0x940  }
.LBB2_16:
0x1b0: {  	v13 =	vld [tilespmem:s8+$0x30];
	v6 =	vmul.f32 v6, v2;
	s5 =	sadd.s32 $0x80, s5  }
0x1b1: {  	s7 =	sadd.s32 $0x8, s7;
	v14 =	vld [tilespmem:s5+$0x30];
	[tilespmem:s6+$0xFFFFFFF0] =	vst v11;
	v10 =	vadd.f32 v12, v10;
	v5 =	vmul.f32 v5, v3  }
0x1b2: {  	p0 =	slt.u32 s7, $0x928;
	v11 =	vld [tilespmem:s5+$0xFFFFFFC0];
	v8 =	vmul.f32 v8, v2  }
0x1b3: {  	v12 =	vld [tilespmem:s8+$0xFFFFFFD0];
	[tilespmem:s6+$0x0] =	vst v10;
	v5 =	vadd.f32 v5, v6;
	v6 =	vmul.f32 v9, v3  }
0x1b4: {  	v9 =	vld [tilespmem:s5+$0xFFFFFFD0];
	v7 =	vmul.f32 v7, v2  }
0x1b5: {  	v10 =	vld [tilespmem:s8+$0xFFFFFFE0];
	[tilespmem:s6+$0x10] =	vst v5;
	v5 =	vadd.f32 v6, v8  }
0x1b6: {  	v8 =	vmul.f32 v13, v2;
	v6 =	vld [tilespmem:s5+$0xFFFFFFE0];
	v13 =	vmul.f32 v14, v3;
	v7 =	vadd.f32 v4, v7  }
0x1b7: {  	v4 =	vmul.f32 v11, v3;
	v11 =	vld [tilespmem:s8+$0xFFFFFFF0];
	[tilespmem:s6+$0x20] =	vst v5  }
0x1b8: {  	v5 =	vmul.f32 v12, v2;
	v12 =	vld [tilespmem:s5+$0xFFFFFFF0];
	v8 =	vadd.f32 v13, v8;
	[tilespmem:s6+$0xFFFFFFC0] =	vst v7  }
0x1b9: {  	s6 =	sadd.s32 $0x80, s6;
	v7 =	vmul.f32 v9, v3;
	v9 =	vld [tilespmem:s8+$0x0]  }
0x1ba: {  	v10 =	vmul.f32 v10, v2;
	v13 =	vld [tilespmem:s5+$0x0];
	[tilespmem:s6+$0x30] =	vst v8  }
.Ltmp7:
0x1bb: {  	v7 =	vadd.f32 v7, v5;
	v8 =	vmul.f32 v6, v3;
	v6 =	vld [tilespmem:s8+$0x10];
	(pc) =	sbr.rel @p0 .LBB2_16-.Ltmp7, $4  }
0x1bc: {  	v11 =	vmul.f32 v11, v2;
	v5 =	vld [tilespmem:s5+$0x10]  }
0x1bd: {  	[tilespmem:s6+$0xFFFFFFD0] =	vst v7;
	v14 =	vadd.f32 v8, v10;
	v12 =	vmul.f32 v12, v3;
	v8 =	vld [tilespmem:s8+$0x20]  }
0x1be: {  	v10 =	vmul.f32 v9, v2;
	v9 =	vld [tilespmem:s5+$0x20]  }
0x1bf: {  	v7 =	vld [tilespmem:s8+$0xFFFFFFC0];
	[tilespmem:s6+$0xFFFFFFE0] =	vst v14;
	v11 =	vadd.f32 v12, v11;
	v12 =	vmul.f32 v13, v3;
	s8 =	sadd.s32 $0x80, s8  }
0x1c0: {  	_ =	sdelay $0x1  }
0x1c1: {  	v6 =	vmul.f32 v6, v2;
	v5 =	vmul.f32 v5, v3  }
0x1c2: {  	v10 =	vadd.f32 v12, v10;
	v8 =	vmul.f32 v8, v2;
	v3 =	vmul.f32 v9, v3  }
0x1c3: {  	[tilespmem:s6+$0xFFFFFFF0] =	vst v11;
	v5 =	vadd.f32 v5, v6;
	v2 =	vmul.f32 v7, v2  }
0x1c4: {  	[tilespmem:s6+$0x0] =	vst v10;
	v3 =	vadd.f32 v3, v8  }
0x1c5: {  	s4 =	sadd.s32 $0x1, s4;
	[tilespmem:s6+$0x10] =	vst v5;
	v2 =	vadd.f32 v4, v2  }
0x1c6: {  	p0 =	sne.s32 s4, s31;
	[tilespmem:s6+$0x20] =	vst v3  }
.Ltmp8:
0x1c7: {  	[tilespmem:s6+$0xFFFFFFC0] =	vst v2;
	(pc) =	sbr.rel @p0 .LBB2_1-.Ltmp8, $4  }
0x1c8: {  	[hbm4b:s30+s2] =	stream.linear.scatter [tilespmem:s3], [sflag:$0x1], $0x9300, $0x38;
	[tilespmem:$0x1C180] =	vst v63  }
0x1c9: {  	_ =	swait.ge [sflag:s0], $0x9300  }
0x1ca: {  	[sflag:s0] =	ssyncset.done $0x0  }
0x1cb: {  	[sflag:s0] =	ssyncadd.s32 $0xFFFF6D00  }
0x1cc: {  	_ =	sfence.sel $0x180000  }
0x1cd: {  	[bflag:$0x0] =	sbarrier.arrive $0xFFFF  }
0x1ce: {  	_ =	strace $0x90000047  }
0x1cf: {  	s0 =	stileid.u32;
	[bflag:$0x2] =	sbarrier.arrive $0xFFFF  }
0x1d0: {  	p0 =	sne.s32 s0, $0x0;
	s0 =	rddreg [dreg:$0x6]  }
0x1d1: {  	s0 =	sadd.s32 @!p0 $0x100000, s0  }
0x1d2: {  	[sflag:s0] =	ssyncadd.tile.s32 @!p0 $0x1;
	_ =	shalt  }
.Lfunc_end2:
_tile_overlayer_lowered:
.L_overlay_start_2:
0x1d3: {  	(tag) =	ssettag $0x2  }
0x1d4: {  	s0 =	rddreg [dreg:$0x0];
	s2 =	stileid.u32  }
0x1d5: {  	s1 =	rddreg [dreg:$0x1];
	p0 =	sne.s32 s2, $0x0  }
0x1d6: {  	s3 =	rddreg [dreg:$0x2];
	[bflag:$0x3] =	sbarrier.arrive $0xFFFF;
	s2 =	simm.s32 @!p0 $0x1C01  }
0x1d7: {  	[timem:s3], [sflag:s2] =	dma.local @!p0 [hbm:s0], s1  }
0x1d8: {  	s0 =	simm.s32 @!p0 $0x1  }
0x1d9: {  	_ =	swait.ge @!p0 [sflag:s0], s1  }
0x1da: {  	s1 =	ssub.s32 @!p0 $0x0, s1;
	[sflag:s0] =	ssyncset.done @!p0 $0x0  }
0x1db: {  	[sflag:s0] =	ssyncadd.s32 @!p0 s1  }
0x1dc: {  	[bflag:$0x3] =	sbarrier.arrive $0xFFFF  }
0x1dd: {  	_ =	shalt  }

</sc_bundles>
